<compile_context>
chip_gen: v7x
topology: tpu7x:2x2x1
jax: 0.10.2.dev20260603
libtpu: 0.0.44.dev20260713+nightly
codegen_flags: <defaults>
</compile_context>

<pallas_src>
import jax
import jax.numpy as jnp
import numpy as np
from jax.experimental import pallas as pl
from jax.experimental.pallas import tpu as pltpu

PATCH_L = 512
PATCH_C = 64
NUM_PATCHES = 16
F_S = 100.0

_N = PATCH_L
_kn = (np.arange(_N)[:, None] * np.arange(_N)[None, :]) % _N
_ang = 2.0 * np.pi * _kn / _N
_DFT = np.concatenate([np.cos(_ang), -np.sin(_ang)], axis=1).astype(np.float32)


def _tf2x32(k0, k1, c0, c1):
    x0 = np.asarray(c0, np.uint32).copy()
    x1 = np.asarray(c1, np.uint32).copy()
    ks = [np.uint32(k0), np.uint32(k1),
          np.uint32(np.uint32(k0) ^ np.uint32(k1) ^ np.uint32(0x1BD11BDA))]
    rots = [(13, 15, 26, 6), (17, 29, 16, 24)]
    x0 = (x0 + ks[0]).astype(np.uint32)
    x1 = (x1 + ks[1]).astype(np.uint32)
    for i in range(5):
        for r in rots[i % 2]:
            x0 = (x0 + x1).astype(np.uint32)
            x1 = ((x1 << np.uint32(r)) | (x1 >> np.uint32(32 - r)))
            x1 = (x1 ^ x0).astype(np.uint32)
        x0 = (x0 + ks[(i + 1) % 3]).astype(np.uint32)
        x1 = (x1 + ks[(i + 2) % 3] + np.uint32(i + 1)).astype(np.uint32)
    return x0, x1


def _tf_split(key):
    b1, b2 = _tf2x32(key[0], key[1], np.zeros(2, np.uint32),
                     np.arange(2, dtype=np.uint32))
    return (b1[0], b2[0]), (b1[1], b2[1])


def _tf_rbits(key, size):
    b1, b2 = _tf2x32(key[0], key[1], np.zeros(size, np.uint32),
                     np.arange(size, dtype=np.uint32))
    return (b1 ^ b2).astype(np.uint32)


def _tf_randint(key, shape, maxval):
    size = int(np.prod(shape))
    k1, k2 = _tf_split(key)
    hi, lo = _tf_rbits(k1, size), _tf_rbits(k2, size)
    span = np.uint32(maxval)
    mult = np.uint32(((2 ** 16) % maxval) ** 2 % maxval)
    off = ((hi % span) * mult + lo % span) % span
    return off.astype(np.int32).reshape(shape)


def _patch_starts(B, L, C):
    kL, kC = _tf_split((np.uint32(0), np.uint32(42)))
    start_L = _tf_randint(kL, (B, NUM_PATCHES), L - PATCH_L + 1)
    start_C = _tf_randint(kC, (B, NUM_PATCHES), C - PATCH_C + 1)
    return start_L, start_C


BGROUP = 2


def _fft_body(sl_ref, sc_ref, x_ref, dft_ref, out_ref):
    g = pl.program_id(0)
    C = x_ref.shape[2]
    cols = []
    for bb in range(BGROUP):
        for p in range(NUM_PATCHES):
            i = (g * BGROUP + bb) * NUM_PATCHES + p
            sl = sl_ref[i]
            sc = sc_ref[i]
            xs = x_ref[bb, pl.ds(sl, PATCH_L), :]
            cols.append(pltpu.roll(xs, C - sc, axis=1)[:, :PATCH_C])
    patches = jnp.concatenate(cols, axis=1)
    res_t = jax.lax.dot_general(
        patches, dft_ref[...], (((0,), (0,)), ((), ())),
        preferred_element_type=jnp.float32,
    )
    for bb in range(BGROUP):
        for p in range(NUM_PATCHES):
            r0 = (bb * NUM_PATCHES + p) * PATCH_C
            rows = res_t[r0:r0 + PATCH_C]
            out_ref[0, bb, p] = rows[:, :PATCH_L]
            out_ref[1, bb, p] = rows[:, PATCH_L:]


def kernel(x):
    B, L, C = x.shape
    start_L, start_C = _patch_starts(B, L, C)
    sl_flat = start_L.reshape(-1).astype(np.int32)
    sc_flat = start_C.reshape(-1).astype(np.int32)
    dft = jnp.asarray(_DFT)

    grid_spec = pltpu.PrefetchScalarGridSpec(
        num_scalar_prefetch=2,
        grid=(B // BGROUP,),
        in_specs=[
            pl.BlockSpec((BGROUP, L, C), lambda g, *_: (g, 0, 0)),
            pl.BlockSpec((PATCH_L, 2 * PATCH_L), lambda g, *_: (0, 0)),
        ],
        out_specs=[
            pl.BlockSpec((2, BGROUP, NUM_PATCHES, PATCH_C, PATCH_L),
                         lambda g, *_: (0, g, 0, 0, 0)),
        ],
    )
    out = pl.pallas_call(
        _fft_body,
        grid_spec=grid_spec,
        out_shape=[
            jax.ShapeDtypeStruct(
                (2, B, NUM_PATCHES, PATCH_C, PATCH_L), jnp.float32),
        ],
    )(sl_flat, sc_flat, x, dft)[0]

    patches_fft = out.transpose(1, 2, 4, 3, 0)
    t = jnp.broadcast_to(
        (jnp.arange(L, dtype=jnp.float32) * (1.0 / F_S))[None, :], (B, L)
    )
    return (patches_fft, t)

# --- scband reference (transcript-rebuilt; emitter-appended) ---
"""Pipeline reference for scband-patchfy-48868137894311 (READ-ONLY COPY).

The authoritative reference and input builder live on the scoring server;
editing this copy changes nothing except your own understanding.
"""

import jax, jax.numpy as jnp
import numpy as np

PATCH_L = 512
PATCH_C = 64
NUM_PATCHES = 16
F_S = 100.0


def setup_inputs(seed: int = 0) -> dict:
    key = jax.random.key(seed)
    x = jax.random.normal(key, (32, 4096, 128), dtype=jnp.float32)
    return {"x": x}


def reference(x):
    B, L, C = x.shape
    T = 1.0 / F_S
    t = (jnp.arange(L, dtype=jnp.float32) * T)[None, :]
    t = jnp.broadcast_to(t, (B, L))
    # Faithful repeat branches (no-ops for these shapes)
    if PATCH_L > L:
        r = (PATCH_L + L - 1) // L
        x = jnp.repeat(x, r, axis=1)
        t = jnp.repeat(t, r, axis=1)
        L = x.shape[1]
    if PATCH_C > C:
        r = (PATCH_C + C - 1) // C
        x = jnp.repeat(x, r, axis=2)
        C = x.shape[2]
    max_start_L = L - PATCH_L
    max_start_C = C - PATCH_C
    kL, kC = jax.random.split(jax.random.key(42))
    start_L = jax.random.randint(kL, (B, NUM_PATCHES), 0, max_start_L + 1)
    start_C = jax.random.randint(kC, (B, NUM_PATCHES), 0, max_start_C + 1)
    idx_L = (start_L[:, :, None] + jnp.arange(PATCH_L)) % L
    idx_C = (start_C[:, :, None] + jnp.arange(PATCH_C)) % C
    b = jnp.arange(B)[:, None, None, None]
    # gather: [B, P, pL, pC]
    patches = x[b, idx_L[:, :, :, None], idx_C[:, :, None, :]]
    pf = jnp.fft.fft(patches, axis=2)
    patches_fft = jnp.stack([jnp.real(pf), jnp.imag(pf)], axis=-1)
    return (patches_fft, t)

if __name__ == "__main__":
    import jax
    _d = setup_inputs()
    print(jax.jit(kernel)(*tuple(_d.values())))

</pallas_src>

<mosaic_0001>
module attributes {stable_mosaic.version = 14 : i64} {
  func.func @_fft_body(%arg0: i32, %arg1: memref<512xi32, #tpu.memory_space<smem>>, %arg2: memref<512xi32, #tpu.memory_space<smem>>, %arg3: memref<2x4096x128xf32, #tpu.memory_space<vmem>>, %arg4: memref<512x1024xf32, #tpu.memory_space<vmem>>, %arg5: memref<2x2x16x64x512xf32, #tpu.memory_space<vmem>>) attributes {dimension_semantics = [#tpu.dimension_semantics<arbitrary>], iteration_bounds = array<i64: 16>, scalar_prefetch = 2 : i64, scratch_operands = 0 : i64, tpu.core_type = #tpu.core_type<tc>, window_params = [{transform_indices = @transform_0, window_bounds = array<i64: 2, 4096, 128>}, {pipeline_mode = #tpu.pipeline_mode<synchronous>, transform_indices = @transform_1, window_bounds = array<i64: 512, 1024>}, {transform_indices = @transform_2, window_bounds = array<i64: 2, 2, 16, 64, 512>}]} {
    %mul3A = arith.constant 2 : i32
    %mul3A_0 = arith.muli %arg0, %mul3A : i32
    %add3A = arith.constant 0 : i32
    %add3A_1 = arith.addi %mul3A_0, %add3A : i32
    %mul3A_2 = arith.constant 16 : i32
    %mul3A_3 = arith.muli %add3A_1, %mul3A_2 : i32
    %add3A_4 = arith.constant 0 : i32
    %add3A_5 = arith.addi %mul3A_3, %add3A_4 : i32
    %get3A = arith.index_cast %add3A_5 : i32 to index
    %get3A_6 = memref.load %arg1[%get3A] : memref<512xi32, #tpu.memory_space<smem>>
    %get3A_7 = arith.index_cast %add3A_5 : i32 to index
    %get3A_8 = memref.load %arg2[%get3A_7] : memref<512xi32, #tpu.memory_space<smem>>
    %get3A_9 = arith.constant 0 : index
    %get3A_10 = arith.index_cast %get3A_6 : i32 to index
    %get3A_11 = arith.constant 0 : index
    %get3A_12 = vector.load %arg3[%get3A_9, %get3A_10, %get3A_11] : memref<2x4096x128xf32, #tpu.memory_space<vmem>>, vector<1x512x128xf32>
    %get3A_13 = vector.shape_cast %get3A_12 : vector<1x512x128xf32> to vector<512x128xf32>
    %sub3A = arith.constant 128 : i32
    %sub3A_14 = arith.subi %sub3A, %get3A_8 : i32
    %roll3A = tpu.dynamic_rotate %get3A_13 by %sub3A_14 dim 1 : vector<512x128xf32>, i32 -> vector<512x128xf32>
    %slice3A = vector.extract_strided_slice %roll3A {offsets = [0, 0], sizes = [512, 64], strides = [1, 1]} : vector<512x128xf32> to vector<512x64xf32>
    %mul3A_15 = arith.constant 2 : i32
    %mul3A_16 = arith.muli %arg0, %mul3A_15 : i32
    %add3A_17 = arith.constant 0 : i32
    %add3A_18 = arith.addi %mul3A_16, %add3A_17 : i32
    %mul3A_19 = arith.constant 16 : i32
    %mul3A_20 = arith.muli %add3A_18, %mul3A_19 : i32
    %add3A_21 = arith.constant 1 : i32
    %add3A_22 = arith.addi %mul3A_20, %add3A_21 : i32
    %get3A_23 = arith.index_cast %add3A_22 : i32 to index
    %get3A_24 = memref.load %arg1[%get3A_23] : memref<512xi32, #tpu.memory_space<smem>>
    %get3A_25 = arith.index_cast %add3A_22 : i32 to index
    %get3A_26 = memref.load %arg2[%get3A_25] : memref<512xi32, #tpu.memory_space<smem>>
    %get3A_27 = arith.constant 0 : index
    %get3A_28 = arith.index_cast %get3A_24 : i32 to index
    %get3A_29 = arith.constant 0 : index
    %get3A_30 = vector.load %arg3[%get3A_27, %get3A_28, %get3A_29] : memref<2x4096x128xf32, #tpu.memory_space<vmem>>, vector<1x512x128xf32>
    %get3A_31 = vector.shape_cast %get3A_30 : vector<1x512x128xf32> to vector<512x128xf32>
    %sub3A_32 = arith.constant 128 : i32
    %sub3A_33 = arith.subi %sub3A_32, %get3A_26 : i32
    %roll3A_34 = tpu.dynamic_rotate %get3A_31 by %sub3A_33 dim 1 : vector<512x128xf32>, i32 -> vector<512x128xf32>
    %slice3A_35 = vector.extract_strided_slice %roll3A_34 {offsets = [0, 0], sizes = [512, 64], strides = [1, 1]} : vector<512x128xf32> to vector<512x64xf32>
    %mul3A_36 = arith.constant 2 : i32
    %mul3A_37 = arith.muli %arg0, %mul3A_36 : i32
    %add3A_38 = arith.constant 0 : i32
    %add3A_39 = arith.addi %mul3A_37, %add3A_38 : i32
    %mul3A_40 = arith.constant 16 : i32
    %mul3A_41 = arith.muli %add3A_39, %mul3A_40 : i32
    %add3A_42 = arith.constant 2 : i32
    %add3A_43 = arith.addi %mul3A_41, %add3A_42 : i32
    %get3A_44 = arith.index_cast %add3A_43 : i32 to index
    %get3A_45 = memref.load %arg1[%get3A_44] : memref<512xi32, #tpu.memory_space<smem>>
    %get3A_46 = arith.index_cast %add3A_43 : i32 to index
    %get3A_47 = memref.load %arg2[%get3A_46] : memref<512xi32, #tpu.memory_space<smem>>
    %get3A_48 = arith.constant 0 : index
    %get3A_49 = arith.index_cast %get3A_45 : i32 to index
    %get3A_50 = arith.constant 0 : index
    %get3A_51 = vector.load %arg3[%get3A_48, %get3A_49, %get3A_50] : memref<2x4096x128xf32, #tpu.memory_space<vmem>>, vector<1x512x128xf32>
    %get3A_52 = vector.shape_cast %get3A_51 : vector<1x512x128xf32> to vector<512x128xf32>
    %sub3A_53 = arith.constant 128 : i32
    %sub3A_54 = arith.subi %sub3A_53, %get3A_47 : i32
    %roll3A_55 = tpu.dynamic_rotate %get3A_52 by %sub3A_54 dim 1 : vector<512x128xf32>, i32 -> vector<512x128xf32>
    %slice3A_56 = vector.extract_strided_slice %roll3A_55 {offsets = [0, 0], sizes = [512, 64], strides = [1, 1]} : vector<512x128xf32> to vector<512x64xf32>
    %mul3A_57 = arith.constant 2 : i32
    %mul3A_58 = arith.muli %arg0, %mul3A_57 : i32
    %add3A_59 = arith.constant 0 : i32
    %add3A_60 = arith.addi %mul3A_58, %add3A_59 : i32
    %mul3A_61 = arith.constant 16 : i32
    %mul3A_62 = arith.muli %add3A_60, %mul3A_61 : i32
    %add3A_63 = arith.constant 3 : i32
    %add3A_64 = arith.addi %mul3A_62, %add3A_63 : i32
    %get3A_65 = arith.index_cast %add3A_64 : i32 to index
    %get3A_66 = memref.load %arg1[%get3A_65] : memref<512xi32, #tpu.memory_space<smem>>
    %get3A_67 = arith.index_cast %add3A_64 : i32 to index
    %get3A_68 = memref.load %arg2[%get3A_67] : memref<512xi32, #tpu.memory_space<smem>>
    %get3A_69 = arith.constant 0 : index
    %get3A_70 = arith.index_cast %get3A_66 : i32 to index
    %get3A_71 = arith.constant 0 : index
    %get3A_72 = vector.load %arg3[%get3A_69, %get3A_70, %get3A_71] : memref<2x4096x128xf32, #tpu.memory_space<vmem>>, vector<1x512x128xf32>
    %get3A_73 = vector.shape_cast %get3A_72 : vector<1x512x128xf32> to vector<512x128xf32>
    %sub3A_74 = arith.constant 128 : i32
    %sub3A_75 = arith.subi %sub3A_74, %get3A_68 : i32
    %roll3A_76 = tpu.dynamic_rotate %get3A_73 by %sub3A_75 dim 1 : vector<512x128xf32>, i32 -> vector<512x128xf32>
    %slice3A_77 = vector.extract_strided_slice %roll3A_76 {offsets = [0, 0], sizes = [512, 64], strides = [1, 1]} : vector<512x128xf32> to vector<512x64xf32>
    %mul3A_78 = arith.constant 2 : i32
    %mul3A_79 = arith.muli %arg0, %mul3A_78 : i32
    %add3A_80 = arith.constant 0 : i32
    %add3A_81 = arith.addi %mul3A_79, %add3A_80 : i32
    %mul3A_82 = arith.constant 16 : i32
    %mul3A_83 = arith.muli %add3A_81, %mul3A_82 : i32
    %add3A_84 = arith.constant 4 : i32
    %add3A_85 = arith.addi %mul3A_83, %add3A_84 : i32
    %get3A_86 = arith.index_cast %add3A_85 : i32 to index
    %get3A_87 = memref.load %arg1[%get3A_86] : memref<512xi32, #tpu.memory_space<smem>>
    %get3A_88 = arith.index_cast %add3A_85 : i32 to index
    %get3A_89 = memref.load %arg2[%get3A_88] : memref<512xi32, #tpu.memory_space<smem>>
    %get3A_90 = arith.constant 0 : index
    %get3A_91 = arith.index_cast %get3A_87 : i32 to index
    %get3A_92 = arith.constant 0 : index
    %get3A_93 = vector.load %arg3[%get3A_90, %get3A_91, %get3A_92] : memref<2x4096x128xf32, #tpu.memory_space<vmem>>, vector<1x512x128xf32>
    %get3A_94 = vector.shape_cast %get3A_93 : vector<1x512x128xf32> to vector<512x128xf32>
    %sub3A_95 = arith.constant 128 : i32
    %sub3A_96 = arith.subi %sub3A_95, %get3A_89 : i32
    %roll3A_97 = tpu.dynamic_rotate %get3A_94 by %sub3A_96 dim 1 : vector<512x128xf32>, i32 -> vector<512x128xf32>
    %slice3A_98 = vector.extract_strided_slice %roll3A_97 {offsets = [0, 0], sizes = [512, 64], strides = [1, 1]} : vector<512x128xf32> to vector<512x64xf32>
    %mul3A_99 = arith.constant 2 : i32
    %mul3A_100 = arith.muli %arg0, %mul3A_99 : i32
    %add3A_101 = arith.constant 0 : i32
    %add3A_102 = arith.addi %mul3A_100, %add3A_101 : i32
    %mul3A_103 = arith.constant 16 : i32
    %mul3A_104 = arith.muli %add3A_102, %mul3A_103 : i32
    %add3A_105 = arith.constant 5 : i32
    %add3A_106 = arith.addi %mul3A_104, %add3A_105 : i32
    %get3A_107 = arith.index_cast %add3A_106 : i32 to index
    %get3A_108 = memref.load %arg1[%get3A_107] : memref<512xi32, #tpu.memory_space<smem>>
    %get3A_109 = arith.index_cast %add3A_106 : i32 to index
    %get3A_110 = memref.load %arg2[%get3A_109] : memref<512xi32, #tpu.memory_space<smem>>
    %get3A_111 = arith.constant 0 : index
    %get3A_112 = arith.index_cast %get3A_108 : i32 to index
    %get3A_113 = arith.constant 0 : index
    %get3A_114 = vector.load %arg3[%get3A_111, %get3A_112, %get3A_113] : memref<2x4096x128xf32, #tpu.memory_space<vmem>>, vector<1x512x128xf32>
    %get3A_115 = vector.shape_cast %get3A_114 : vector<1x512x128xf32> to vector<512x128xf32>
    %sub3A_116 = arith.constant 128 : i32
    %sub3A_117 = arith.subi %sub3A_116, %get3A_110 : i32
    %roll3A_118 = tpu.dynamic_rotate %get3A_115 by %sub3A_117 dim 1 : vector<512x128xf32>, i32 -> vector<512x128xf32>
    %slice3A_119 = vector.extract_strided_slice %roll3A_118 {offsets = [0, 0], sizes = [512, 64], strides = [1, 1]} : vector<512x128xf32> to vector<512x64xf32>
    %mul3A_120 = arith.constant 2 : i32
    %mul3A_121 = arith.muli %arg0, %mul3A_120 : i32
    %add3A_122 = arith.constant 0 : i32
    %add3A_123 = arith.addi %mul3A_121, %add3A_122 : i32
    %mul3A_124 = arith.constant 16 : i32
    %mul3A_125 = arith.muli %add3A_123, %mul3A_124 : i32
    %add3A_126 = arith.constant 6 : i32
    %add3A_127 = arith.addi %mul3A_125, %add3A_126 : i32
    %get3A_128 = arith.index_cast %add3A_127 : i32 to index
    %get3A_129 = memref.load %arg1[%get3A_128] : memref<512xi32, #tpu.memory_space<smem>>
    %get3A_130 = arith.index_cast %add3A_127 : i32 to index
    %get3A_131 = memref.load %arg2[%get3A_130] : memref<512xi32, #tpu.memory_space<smem>>
    %get3A_132 = arith.constant 0 : index
    %get3A_133 = arith.index_cast %get3A_129 : i32 to index
    %get3A_134 = arith.constant 0 : index
    %get3A_135 = vector.load %arg3[%get3A_132, %get3A_133, %get3A_134] : memref<2x4096x128xf32, #tpu.memory_space<vmem>>, vector<1x512x128xf32>
    %get3A_136 = vector.shape_cast %get3A_135 : vector<1x512x128xf32> to vector<512x128xf32>
    %sub3A_137 = arith.constant 128 : i32
    %sub3A_138 = arith.subi %sub3A_137, %get3A_131 : i32
    %roll3A_139 = tpu.dynamic_rotate %get3A_136 by %sub3A_138 dim 1 : vector<512x128xf32>, i32 -> vector<512x128xf32>
    %slice3A_140 = vector.extract_strided_slice %roll3A_139 {offsets = [0, 0], sizes = [512, 64], strides = [1, 1]} : vector<512x128xf32> to vector<512x64xf32>
    %mul3A_141 = arith.constant 2 : i32
    %mul3A_142 = arith.muli %arg0, %mul3A_141 : i32
    %add3A_143 = arith.constant 0 : i32
    %add3A_144 = arith.addi %mul3A_142, %add3A_143 : i32
    %mul3A_145 = arith.constant 16 : i32
    %mul3A_146 = arith.muli %add3A_144, %mul3A_145 : i32
    %add3A_147 = arith.constant 7 : i32
    %add3A_148 = arith.addi %mul3A_146, %add3A_147 : i32
    %get3A_149 = arith.index_cast %add3A_148 : i32 to index
    %get3A_150 = memref.load %arg1[%get3A_149] : memref<512xi32, #tpu.memory_space<smem>>
    %get3A_151 = arith.index_cast %add3A_148 : i32 to index
    %get3A_152 = memref.load %arg2[%get3A_151] : memref<512xi32, #tpu.memory_space<smem>>
    %get3A_153 = arith.constant 0 : index
    %get3A_154 = arith.index_cast %get3A_150 : i32 to index
    %get3A_155 = arith.constant 0 : index
    %get3A_156 = vector.load %arg3[%get3A_153, %get3A_154, %get3A_155] : memref<2x4096x128xf32, #tpu.memory_space<vmem>>, vector<1x512x128xf32>
    %get3A_157 = vector.shape_cast %get3A_156 : vector<1x512x128xf32> to vector<512x128xf32>
    %sub3A_158 = arith.constant 128 : i32
    %sub3A_159 = arith.subi %sub3A_158, %get3A_152 : i32
    %roll3A_160 = tpu.dynamic_rotate %get3A_157 by %sub3A_159 dim 1 : vector<512x128xf32>, i32 -> vector<512x128xf32>
    %slice3A_161 = vector.extract_strided_slice %roll3A_160 {offsets = [0, 0], sizes = [512, 64], strides = [1, 1]} : vector<512x128xf32> to vector<512x64xf32>
    %mul3A_162 = arith.constant 2 : i32
    %mul3A_163 = arith.muli %arg0, %mul3A_162 : i32
    %add3A_164 = arith.constant 0 : i32
    %add3A_165 = arith.addi %mul3A_163, %add3A_164 : i32
    %mul3A_166 = arith.constant 16 : i32
    %mul3A_167 = arith.muli %add3A_165, %mul3A_166 : i32
    %add3A_168 = arith.constant 8 : i32
    %add3A_169 = arith.addi %mul3A_167, %add3A_168 : i32
    %get3A_170 = arith.index_cast %add3A_169 : i32 to index
    %get3A_171 = memref.load %arg1[%get3A_170] : memref<512xi32, #tpu.memory_space<smem>>
    %get3A_172 = arith.index_cast %add3A_169 : i32 to index
    %get3A_173 = memref.load %arg2[%get3A_172] : memref<512xi32, #tpu.memory_space<smem>>
    %get3A_174 = arith.constant 0 : index
    %get3A_175 = arith.index_cast %get3A_171 : i32 to index
    %get3A_176 = arith.constant 0 : index
    %get3A_177 = vector.load %arg3[%get3A_174, %get3A_175, %get3A_176] : memref<2x4096x128xf32, #tpu.memory_space<vmem>>, vector<1x512x128xf32>
    %get3A_178 = vector.shape_cast %get3A_177 : vector<1x512x128xf32> to vector<512x128xf32>
    %sub3A_179 = arith.constant 128 : i32
    %sub3A_180 = arith.subi %sub3A_179, %get3A_173 : i32
    %roll3A_181 = tpu.dynamic_rotate %get3A_178 by %sub3A_180 dim 1 : vector<512x128xf32>, i32 -> vector<512x128xf32>
    %slice3A_182 = vector.extract_strided_slice %roll3A_181 {offsets = [0, 0], sizes = [512, 64], strides = [1, 1]} : vector<512x128xf32> to vector<512x64xf32>
    %mul3A_183 = arith.constant 2 : i32
    %mul3A_184 = arith.muli %arg0, %mul3A_183 : i32
    %add3A_185 = arith.constant 0 : i32
    %add3A_186 = arith.addi %mul3A_184, %add3A_185 : i32
    %mul3A_187 = arith.constant 16 : i32
    %mul3A_188 = arith.muli %add3A_186, %mul3A_187 : i32
    %add3A_189 = arith.constant 9 : i32
    %add3A_190 = arith.addi %mul3A_188, %add3A_189 : i32
    %get3A_191 = arith.index_cast %add3A_190 : i32 to index
    %get3A_192 = memref.load %arg1[%get3A_191] : memref<512xi32, #tpu.memory_space<smem>>
    %get3A_193 = arith.index_cast %add3A_190 : i32 to index
    %get3A_194 = memref.load %arg2[%get3A_193] : memref<512xi32, #tpu.memory_space<smem>>
    %get3A_195 = arith.constant 0 : index
    %get3A_196 = arith.index_cast %get3A_192 : i32 to index
    %get3A_197 = arith.constant 0 : index
    %get3A_198 = vector.load %arg3[%get3A_195, %get3A_196, %get3A_197] : memref<2x4096x128xf32, #tpu.memory_space<vmem>>, vector<1x512x128xf32>
    %get3A_199 = vector.shape_cast %get3A_198 : vector<1x512x128xf32> to vector<512x128xf32>
    %sub3A_200 = arith.constant 128 : i32
    %sub3A_201 = arith.subi %sub3A_200, %get3A_194 : i32
    %roll3A_202 = tpu.dynamic_rotate %get3A_199 by %sub3A_201 dim 1 : vector<512x128xf32>, i32 -> vector<512x128xf32>
    %slice3A_203 = vector.extract_strided_slice %roll3A_202 {offsets = [0, 0], sizes = [512, 64], strides = [1, 1]} : vector<512x128xf32> to vector<512x64xf32>
    %mul3A_204 = arith.constant 2 : i32
    %mul3A_205 = arith.muli %arg0, %mul3A_204 : i32
    %add3A_206 = arith.constant 0 : i32
    %add3A_207 = arith.addi %mul3A_205, %add3A_206 : i32
    %mul3A_208 = arith.constant 16 : i32
    %mul3A_209 = arith.muli %add3A_207, %mul3A_208 : i32
    %add3A_210 = arith.constant 10 : i32
    %add3A_211 = arith.addi %mul3A_209, %add3A_210 : i32
    %get3A_212 = arith.index_cast %add3A_211 : i32 to index
    %get3A_213 = memref.load %arg1[%get3A_212] : memref<512xi32, #tpu.memory_space<smem>>
    %get3A_214 = arith.index_cast %add3A_211 : i32 to index
    %get3A_215 = memref.load %arg2[%get3A_214] : memref<512xi32, #tpu.memory_space<smem>>
    %get3A_216 = arith.constant 0 : index
    %get3A_217 = arith.index_cast %get3A_213 : i32 to index
    %get3A_218 = arith.constant 0 : index
    %get3A_219 = vector.load %arg3[%get3A_216, %get3A_217, %get3A_218] : memref<2x4096x128xf32, #tpu.memory_space<vmem>>, vector<1x512x128xf32>
    %get3A_220 = vector.shape_cast %get3A_219 : vector<1x512x128xf32> to vector<512x128xf32>
    %sub3A_221 = arith.constant 128 : i32
    %sub3A_222 = arith.subi %sub3A_221, %get3A_215 : i32
    %roll3A_223 = tpu.dynamic_rotate %get3A_220 by %sub3A_222 dim 1 : vector<512x128xf32>, i32 -> vector<512x128xf32>
    %slice3A_224 = vector.extract_strided_slice %roll3A_223 {offsets = [0, 0], sizes = [512, 64], strides = [1, 1]} : vector<512x128xf32> to vector<512x64xf32>
    %mul3A_225 = arith.constant 2 : i32
    %mul3A_226 = arith.muli %arg0, %mul3A_225 : i32
    %add3A_227 = arith.constant 0 : i32
    %add3A_228 = arith.addi %mul3A_226, %add3A_227 : i32
    %mul3A_229 = arith.constant 16 : i32
    %mul3A_230 = arith.muli %add3A_228, %mul3A_229 : i32
    %add3A_231 = arith.constant 11 : i32
    %add3A_232 = arith.addi %mul3A_230, %add3A_231 : i32
    %get3A_233 = arith.index_cast %add3A_232 : i32 to index
    %get3A_234 = memref.load %arg1[%get3A_233] : memref<512xi32, #tpu.memory_space<smem>>
    %get3A_235 = arith.index_cast %add3A_232 : i32 to index
    %get3A_236 = memref.load %arg2[%get3A_235] : memref<512xi32, #tpu.memory_space<smem>>
    %get3A_237 = arith.constant 0 : index
    %get3A_238 = arith.index_cast %get3A_234 : i32 to index
    %get3A_239 = arith.constant 0 : index
    %get3A_240 = vector.load %arg3[%get3A_237, %get3A_238, %get3A_239] : memref<2x4096x128xf32, #tpu.memory_space<vmem>>, vector<1x512x128xf32>
    %get3A_241 = vector.shape_cast %get3A_240 : vector<1x512x128xf32> to vector<512x128xf32>
    %sub3A_242 = arith.constant 128 : i32
    %sub3A_243 = arith.subi %sub3A_242, %get3A_236 : i32
    %roll3A_244 = tpu.dynamic_rotate %get3A_241 by %sub3A_243 dim 1 : vector<512x128xf32>, i32 -> vector<512x128xf32>
    %slice3A_245 = vector.extract_strided_slice %roll3A_244 {offsets = [0, 0], sizes = [512, 64], strides = [1, 1]} : vector<512x128xf32> to vector<512x64xf32>
    %mul3A_246 = arith.constant 2 : i32
    %mul3A_247 = arith.muli %arg0, %mul3A_246 : i32
    %add3A_248 = arith.constant 0 : i32
    %add3A_249 = arith.addi %mul3A_247, %add3A_248 : i32
    %mul3A_250 = arith.constant 16 : i32
    %mul3A_251 = arith.muli %add3A_249, %mul3A_250 : i32
    %add3A_252 = arith.constant 12 : i32
    %add3A_253 = arith.addi %mul3A_251, %add3A_252 : i32
    %get3A_254 = arith.index_cast %add3A_253 : i32 to index
    %get3A_255 = memref.load %arg1[%get3A_254] : memref<512xi32, #tpu.memory_space<smem>>
    %get3A_256 = arith.index_cast %add3A_253 : i32 to index
    %get3A_257 = memref.load %arg2[%get3A_256] : memref<512xi32, #tpu.memory_space<smem>>
    %get3A_258 = arith.constant 0 : index
    %get3A_259 = arith.index_cast %get3A_255 : i32 to index
    %get3A_260 = arith.constant 0 : index
    %get3A_261 = vector.load %arg3[%get3A_258, %get3A_259, %get3A_260] : memref<2x4096x128xf32, #tpu.memory_space<vmem>>, vector<1x512x128xf32>
    %get3A_262 = vector.shape_cast %get3A_261 : vector<1x512x128xf32> to vector<512x128xf32>
    %sub3A_263 = arith.constant 128 : i32
    %sub3A_264 = arith.subi %sub3A_263, %get3A_257 : i32
    %roll3A_265 = tpu.dynamic_rotate %get3A_262 by %sub3A_264 dim 1 : vector<512x128xf32>, i32 -> vector<512x128xf32>
    %slice3A_266 = vector.extract_strided_slice %roll3A_265 {offsets = [0, 0], sizes = [512, 64], strides = [1, 1]} : vector<512x128xf32> to vector<512x64xf32>
    %mul3A_267 = arith.constant 2 : i32
    %mul3A_268 = arith.muli %arg0, %mul3A_267 : i32
    %add3A_269 = arith.constant 0 : i32
    %add3A_270 = arith.addi %mul3A_268, %add3A_269 : i32
    %mul3A_271 = arith.constant 16 : i32
    %mul3A_272 = arith.muli %add3A_270, %mul3A_271 : i32
    %add3A_273 = arith.constant 13 : i32
    %add3A_274 = arith.addi %mul3A_272, %add3A_273 : i32
    %get3A_275 = arith.index_cast %add3A_274 : i32 to index
    %get3A_276 = memref.load %arg1[%get3A_275] : memref<512xi32, #tpu.memory_space<smem>>
    %get3A_277 = arith.index_cast %add3A_274 : i32 to index
    %get3A_278 = memref.load %arg2[%get3A_277] : memref<512xi32, #tpu.memory_space<smem>>
    %get3A_279 = arith.constant 0 : index
    %get3A_280 = arith.index_cast %get3A_276 : i32 to index
    %get3A_281 = arith.constant 0 : index
    %get3A_282 = vector.load %arg3[%get3A_279, %get3A_280, %get3A_281] : memref<2x4096x128xf32, #tpu.memory_space<vmem>>, vector<1x512x128xf32>
    %get3A_283 = vector.shape_cast %get3A_282 : vector<1x512x128xf32> to vector<512x128xf32>
    %sub3A_284 = arith.constant 128 : i32
    %sub3A_285 = arith.subi %sub3A_284, %get3A_278 : i32
    %roll3A_286 = tpu.dynamic_rotate %get3A_283 by %sub3A_285 dim 1 : vector<512x128xf32>, i32 -> vector<512x128xf32>
    %slice3A_287 = vector.extract_strided_slice %roll3A_286 {offsets = [0, 0], sizes = [512, 64], strides = [1, 1]} : vector<512x128xf32> to vector<512x64xf32>
    %mul3A_288 = arith.constant 2 : i32
    %mul3A_289 = arith.muli %arg0, %mul3A_288 : i32
    %add3A_290 = arith.constant 0 : i32
    %add3A_291 = arith.addi %mul3A_289, %add3A_290 : i32
    %mul3A_292 = arith.constant 16 : i32
    %mul3A_293 = arith.muli %add3A_291, %mul3A_292 : i32
    %add3A_294 = arith.constant 14 : i32
    %add3A_295 = arith.addi %mul3A_293, %add3A_294 : i32
    %get3A_296 = arith.index_cast %add3A_295 : i32 to index
    %get3A_297 = memref.load %arg1[%get3A_296] : memref<512xi32, #tpu.memory_space<smem>>
    %get3A_298 = arith.index_cast %add3A_295 : i32 to index
    %get3A_299 = memref.load %arg2[%get3A_298] : memref<512xi32, #tpu.memory_space<smem>>
    %get3A_300 = arith.constant 0 : index
    %get3A_301 = arith.index_cast %get3A_297 : i32 to index
    %get3A_302 = arith.constant 0 : index
    %get3A_303 = vector.load %arg3[%get3A_300, %get3A_301, %get3A_302] : memref<2x4096x128xf32, #tpu.memory_space<vmem>>, vector<1x512x128xf32>
    %get3A_304 = vector.shape_cast %get3A_303 : vector<1x512x128xf32> to vector<512x128xf32>
    %sub3A_305 = arith.constant 128 : i32
    %sub3A_306 = arith.subi %sub3A_305, %get3A_299 : i32
    %roll3A_307 = tpu.dynamic_rotate %get3A_304 by %sub3A_306 dim 1 : vector<512x128xf32>, i32 -> vector<512x128xf32>
    %slice3A_308 = vector.extract_strided_slice %roll3A_307 {offsets = [0, 0], sizes = [512, 64], strides = [1, 1]} : vector<512x128xf32> to vector<512x64xf32>
    %mul3A_309 = arith.constant 2 : i32
    %mul3A_310 = arith.muli %arg0, %mul3A_309 : i32
    %add3A_311 = arith.constant 0 : i32
    %add3A_312 = arith.addi %mul3A_310, %add3A_311 : i32
    %mul3A_313 = arith.constant 16 : i32
    %mul3A_314 = arith.muli %add3A_312, %mul3A_313 : i32
    %add3A_315 = arith.constant 15 : i32
    %add3A_316 = arith.addi %mul3A_314, %add3A_315 : i32
    %get3A_317 = arith.index_cast %add3A_316 : i32 to index
    %get3A_318 = memref.load %arg1[%get3A_317] : memref<512xi32, #tpu.memory_space<smem>>
    %get3A_319 = arith.index_cast %add3A_316 : i32 to index
    %get3A_320 = memref.load %arg2[%get3A_319] : memref<512xi32, #tpu.memory_space<smem>>
    %get3A_321 = arith.constant 0 : index
    %get3A_322 = arith.index_cast %get3A_318 : i32 to index
    %get3A_323 = arith.constant 0 : index
    %get3A_324 = vector.load %arg3[%get3A_321, %get3A_322, %get3A_323] : memref<2x4096x128xf32, #tpu.memory_space<vmem>>, vector<1x512x128xf32>
    %get3A_325 = vector.shape_cast %get3A_324 : vector<1x512x128xf32> to vector<512x128xf32>
    %sub3A_326 = arith.constant 128 : i32
    %sub3A_327 = arith.subi %sub3A_326, %get3A_320 : i32
    %roll3A_328 = tpu.dynamic_rotate %get3A_325 by %sub3A_327 dim 1 : vector<512x128xf32>, i32 -> vector<512x128xf32>
    %slice3A_329 = vector.extract_strided_slice %roll3A_328 {offsets = [0, 0], sizes = [512, 64], strides = [1, 1]} : vector<512x128xf32> to vector<512x64xf32>
    %mul3A_330 = arith.constant 2 : i32
    %mul3A_331 = arith.muli %arg0, %mul3A_330 : i32
    %add3A_332 = arith.constant 1 : i32
    %add3A_333 = arith.addi %mul3A_331, %add3A_332 : i32
    %mul3A_334 = arith.constant 16 : i32
    %mul3A_335 = arith.muli %add3A_333, %mul3A_334 : i32
    %add3A_336 = arith.constant 0 : i32
    %add3A_337 = arith.addi %mul3A_335, %add3A_336 : i32
    %get3A_338 = arith.index_cast %add3A_337 : i32 to index
    %get3A_339 = memref.load %arg1[%get3A_338] : memref<512xi32, #tpu.memory_space<smem>>
    %get3A_340 = arith.index_cast %add3A_337 : i32 to index
    %get3A_341 = memref.load %arg2[%get3A_340] : memref<512xi32, #tpu.memory_space<smem>>
    %get3A_342 = arith.constant 1 : index
    %get3A_343 = arith.index_cast %get3A_339 : i32 to index
    %get3A_344 = arith.constant 0 : index
    %get3A_345 = vector.load %arg3[%get3A_342, %get3A_343, %get3A_344] : memref<2x4096x128xf32, #tpu.memory_space<vmem>>, vector<1x512x128xf32>
    %get3A_346 = vector.shape_cast %get3A_345 : vector<1x512x128xf32> to vector<512x128xf32>
    %sub3A_347 = arith.constant 128 : i32
    %sub3A_348 = arith.subi %sub3A_347, %get3A_341 : i32
    %roll3A_349 = tpu.dynamic_rotate %get3A_346 by %sub3A_348 dim 1 : vector<512x128xf32>, i32 -> vector<512x128xf32>
    %slice3A_350 = vector.extract_strided_slice %roll3A_349 {offsets = [0, 0], sizes = [512, 64], strides = [1, 1]} : vector<512x128xf32> to vector<512x64xf32>
    %mul3A_351 = arith.constant 2 : i32
    %mul3A_352 = arith.muli %arg0, %mul3A_351 : i32
    %add3A_353 = arith.constant 1 : i32
    %add3A_354 = arith.addi %mul3A_352, %add3A_353 : i32
    %mul3A_355 = arith.constant 16 : i32
    %mul3A_356 = arith.muli %add3A_354, %mul3A_355 : i32
    %add3A_357 = arith.constant 1 : i32
    %add3A_358 = arith.addi %mul3A_356, %add3A_357 : i32
    %get3A_359 = arith.index_cast %add3A_358 : i32 to index
    %get3A_360 = memref.load %arg1[%get3A_359] : memref<512xi32, #tpu.memory_space<smem>>
    %get3A_361 = arith.index_cast %add3A_358 : i32 to index
    %get3A_362 = memref.load %arg2[%get3A_361] : memref<512xi32, #tpu.memory_space<smem>>
    %get3A_363 = arith.constant 1 : index
    %get3A_364 = arith.index_cast %get3A_360 : i32 to index
    %get3A_365 = arith.constant 0 : index
    %get3A_366 = vector.load %arg3[%get3A_363, %get3A_364, %get3A_365] : memref<2x4096x128xf32, #tpu.memory_space<vmem>>, vector<1x512x128xf32>
    %get3A_367 = vector.shape_cast %get3A_366 : vector<1x512x128xf32> to vector<512x128xf32>
    %sub3A_368 = arith.constant 128 : i32
    %sub3A_369 = arith.subi %sub3A_368, %get3A_362 : i32
    %roll3A_370 = tpu.dynamic_rotate %get3A_367 by %sub3A_369 dim 1 : vector<512x128xf32>, i32 -> vector<512x128xf32>
    %slice3A_371 = vector.extract_strided_slice %roll3A_370 {offsets = [0, 0], sizes = [512, 64], strides = [1, 1]} : vector<512x128xf32> to vector<512x64xf32>
    %mul3A_372 = arith.constant 2 : i32
    %mul3A_373 = arith.muli %arg0, %mul3A_372 : i32
    %add3A_374 = arith.constant 1 : i32
    %add3A_375 = arith.addi %mul3A_373, %add3A_374 : i32
    %mul3A_376 = arith.constant 16 : i32
    %mul3A_377 = arith.muli %add3A_375, %mul3A_376 : i32
    %add3A_378 = arith.constant 2 : i32
    %add3A_379 = arith.addi %mul3A_377, %add3A_378 : i32
    %get3A_380 = arith.index_cast %add3A_379 : i32 to index
    %get3A_381 = memref.load %arg1[%get3A_380] : memref<512xi32, #tpu.memory_space<smem>>
    %get3A_382 = arith.index_cast %add3A_379 : i32 to index
    %get3A_383 = memref.load %arg2[%get3A_382] : memref<512xi32, #tpu.memory_space<smem>>
    %get3A_384 = arith.constant 1 : index
    %get3A_385 = arith.index_cast %get3A_381 : i32 to index
    %get3A_386 = arith.constant 0 : index
    %get3A_387 = vector.load %arg3[%get3A_384, %get3A_385, %get3A_386] : memref<2x4096x128xf32, #tpu.memory_space<vmem>>, vector<1x512x128xf32>
    %get3A_388 = vector.shape_cast %get3A_387 : vector<1x512x128xf32> to vector<512x128xf32>
    %sub3A_389 = arith.constant 128 : i32
    %sub3A_390 = arith.subi %sub3A_389, %get3A_383 : i32
    %roll3A_391 = tpu.dynamic_rotate %get3A_388 by %sub3A_390 dim 1 : vector<512x128xf32>, i32 -> vector<512x128xf32>
    %slice3A_392 = vector.extract_strided_slice %roll3A_391 {offsets = [0, 0], sizes = [512, 64], strides = [1, 1]} : vector<512x128xf32> to vector<512x64xf32>
    %mul3A_393 = arith.constant 2 : i32
    %mul3A_394 = arith.muli %arg0, %mul3A_393 : i32
    %add3A_395 = arith.constant 1 : i32
    %add3A_396 = arith.addi %mul3A_394, %add3A_395 : i32
    %mul3A_397 = arith.constant 16 : i32
    %mul3A_398 = arith.muli %add3A_396, %mul3A_397 : i32
    %add3A_399 = arith.constant 3 : i32
    %add3A_400 = arith.addi %mul3A_398, %add3A_399 : i32
    %get3A_401 = arith.index_cast %add3A_400 : i32 to index
    %get3A_402 = memref.load %arg1[%get3A_401] : memref<512xi32, #tpu.memory_space<smem>>
    %get3A_403 = arith.index_cast %add3A_400 : i32 to index
    %get3A_404 = memref.load %arg2[%get3A_403] : memref<512xi32, #tpu.memory_space<smem>>
    %get3A_405 = arith.constant 1 : index
    %get3A_406 = arith.index_cast %get3A_402 : i32 to index
    %get3A_407 = arith.constant 0 : index
    %get3A_408 = vector.load %arg3[%get3A_405, %get3A_406, %get3A_407] : memref<2x4096x128xf32, #tpu.memory_space<vmem>>, vector<1x512x128xf32>
    %get3A_409 = vector.shape_cast %get3A_408 : vector<1x512x128xf32> to vector<512x128xf32>
    %sub3A_410 = arith.constant 128 : i32
    %sub3A_411 = arith.subi %sub3A_410, %get3A_404 : i32
    %roll3A_412 = tpu.dynamic_rotate %get3A_409 by %sub3A_411 dim 1 : vector<512x128xf32>, i32 -> vector<512x128xf32>
    %slice3A_413 = vector.extract_strided_slice %roll3A_412 {offsets = [0, 0], sizes = [512, 64], strides = [1, 1]} : vector<512x128xf32> to vector<512x64xf32>
    %mul3A_414 = arith.constant 2 : i32
    %mul3A_415 = arith.muli %arg0, %mul3A_414 : i32
    %add3A_416 = arith.constant 1 : i32
    %add3A_417 = arith.addi %mul3A_415, %add3A_416 : i32
    %mul3A_418 = arith.constant 16 : i32
    %mul3A_419 = arith.muli %add3A_417, %mul3A_418 : i32
    %add3A_420 = arith.constant 4 : i32
    %add3A_421 = arith.addi %mul3A_419, %add3A_420 : i32
    %get3A_422 = arith.index_cast %add3A_421 : i32 to index
    %get3A_423 = memref.load %arg1[%get3A_422] : memref<512xi32, #tpu.memory_space<smem>>
    %get3A_424 = arith.index_cast %add3A_421 : i32 to index
    %get3A_425 = memref.load %arg2[%get3A_424] : memref<512xi32, #tpu.memory_space<smem>>
    %get3A_426 = arith.constant 1 : index
    %get3A_427 = arith.index_cast %get3A_423 : i32 to index
    %get3A_428 = arith.constant 0 : index
    %get3A_429 = vector.load %arg3[%get3A_426, %get3A_427, %get3A_428] : memref<2x4096x128xf32, #tpu.memory_space<vmem>>, vector<1x512x128xf32>
    %get3A_430 = vector.shape_cast %get3A_429 : vector<1x512x128xf32> to vector<512x128xf32>
    %sub3A_431 = arith.constant 128 : i32
    %sub3A_432 = arith.subi %sub3A_431, %get3A_425 : i32
    %roll3A_433 = tpu.dynamic_rotate %get3A_430 by %sub3A_432 dim 1 : vector<512x128xf32>, i32 -> vector<512x128xf32>
    %slice3A_434 = vector.extract_strided_slice %roll3A_433 {offsets = [0, 0], sizes = [512, 64], strides = [1, 1]} : vector<512x128xf32> to vector<512x64xf32>
    %mul3A_435 = arith.constant 2 : i32
    %mul3A_436 = arith.muli %arg0, %mul3A_435 : i32
    %add3A_437 = arith.constant 1 : i32
    %add3A_438 = arith.addi %mul3A_436, %add3A_437 : i32
    %mul3A_439 = arith.constant 16 : i32
    %mul3A_440 = arith.muli %add3A_438, %mul3A_439 : i32
    %add3A_441 = arith.constant 5 : i32
    %add3A_442 = arith.addi %mul3A_440, %add3A_441 : i32
    %get3A_443 = arith.index_cast %add3A_442 : i32 to index
    %get3A_444 = memref.load %arg1[%get3A_443] : memref<512xi32, #tpu.memory_space<smem>>
    %get3A_445 = arith.index_cast %add3A_442 : i32 to index
    %get3A_446 = memref.load %arg2[%get3A_445] : memref<512xi32, #tpu.memory_space<smem>>
    %get3A_447 = arith.constant 1 : index
    %get3A_448 = arith.index_cast %get3A_444 : i32 to index
    %get3A_449 = arith.constant 0 : index
    %get3A_450 = vector.load %arg3[%get3A_447, %get3A_448, %get3A_449] : memref<2x4096x128xf32, #tpu.memory_space<vmem>>, vector<1x512x128xf32>
    %get3A_451 = vector.shape_cast %get3A_450 : vector<1x512x128xf32> to vector<512x128xf32>
    %sub3A_452 = arith.constant 128 : i32
    %sub3A_453 = arith.subi %sub3A_452, %get3A_446 : i32
    %roll3A_454 = tpu.dynamic_rotate %get3A_451 by %sub3A_453 dim 1 : vector<512x128xf32>, i32 -> vector<512x128xf32>
    %slice3A_455 = vector.extract_strided_slice %roll3A_454 {offsets = [0, 0], sizes = [512, 64], strides = [1, 1]} : vector<512x128xf32> to vector<512x64xf32>
    %mul3A_456 = arith.constant 2 : i32
    %mul3A_457 = arith.muli %arg0, %mul3A_456 : i32
    %add3A_458 = arith.constant 1 : i32
    %add3A_459 = arith.addi %mul3A_457, %add3A_458 : i32
    %mul3A_460 = arith.constant 16 : i32
    %mul3A_461 = arith.muli %add3A_459, %mul3A_460 : i32
    %add3A_462 = arith.constant 6 : i32
    %add3A_463 = arith.addi %mul3A_461, %add3A_462 : i32
    %get3A_464 = arith.index_cast %add3A_463 : i32 to index
    %get3A_465 = memref.load %arg1[%get3A_464] : memref<512xi32, #tpu.memory_space<smem>>
    %get3A_466 = arith.index_cast %add3A_463 : i32 to index
    %get3A_467 = memref.load %arg2[%get3A_466] : memref<512xi32, #tpu.memory_space<smem>>
    %get3A_468 = arith.constant 1 : index
    %get3A_469 = arith.index_cast %get3A_465 : i32 to index
    %get3A_470 = arith.constant 0 : index
    %get3A_471 = vector.load %arg3[%get3A_468, %get3A_469, %get3A_470] : memref<2x4096x128xf32, #tpu.memory_space<vmem>>, vector<1x512x128xf32>
    %get3A_472 = vector.shape_cast %get3A_471 : vector<1x512x128xf32> to vector<512x128xf32>
    %sub3A_473 = arith.constant 128 : i32
    %sub3A_474 = arith.subi %sub3A_473, %get3A_467 : i32
    %roll3A_475 = tpu.dynamic_rotate %get3A_472 by %sub3A_474 dim 1 : vector<512x128xf32>, i32 -> vector<512x128xf32>
    %slice3A_476 = vector.extract_strided_slice %roll3A_475 {offsets = [0, 0], sizes = [512, 64], strides = [1, 1]} : vector<512x128xf32> to vector<512x64xf32>
    %mul3A_477 = arith.constant 2 : i32
    %mul3A_478 = arith.muli %arg0, %mul3A_477 : i32
    %add3A_479 = arith.constant 1 : i32
    %add3A_480 = arith.addi %mul3A_478, %add3A_479 : i32
    %mul3A_481 = arith.constant 16 : i32
    %mul3A_482 = arith.muli %add3A_480, %mul3A_481 : i32
    %add3A_483 = arith.constant 7 : i32
    %add3A_484 = arith.addi %mul3A_482, %add3A_483 : i32
    %get3A_485 = arith.index_cast %add3A_484 : i32 to index
    %get3A_486 = memref.load %arg1[%get3A_485] : memref<512xi32, #tpu.memory_space<smem>>
    %get3A_487 = arith.index_cast %add3A_484 : i32 to index
    %get3A_488 = memref.load %arg2[%get3A_487] : memref<512xi32, #tpu.memory_space<smem>>
    %get3A_489 = arith.constant 1 : index
    %get3A_490 = arith.index_cast %get3A_486 : i32 to index
    %get3A_491 = arith.constant 0 : index
    %get3A_492 = vector.load %arg3[%get3A_489, %get3A_490, %get3A_491] : memref<2x4096x128xf32, #tpu.memory_space<vmem>>, vector<1x512x128xf32>
    %get3A_493 = vector.shape_cast %get3A_492 : vector<1x512x128xf32> to vector<512x128xf32>
    %sub3A_494 = arith.constant 128 : i32
    %sub3A_495 = arith.subi %sub3A_494, %get3A_488 : i32
    %roll3A_496 = tpu.dynamic_rotate %get3A_493 by %sub3A_495 dim 1 : vector<512x128xf32>, i32 -> vector<512x128xf32>
    %slice3A_497 = vector.extract_strided_slice %roll3A_496 {offsets = [0, 0], sizes = [512, 64], strides = [1, 1]} : vector<512x128xf32> to vector<512x64xf32>
    %mul3A_498 = arith.constant 2 : i32
    %mul3A_499 = arith.muli %arg0, %mul3A_498 : i32
    %add3A_500 = arith.constant 1 : i32
    %add3A_501 = arith.addi %mul3A_499, %add3A_500 : i32
    %mul3A_502 = arith.constant 16 : i32
    %mul3A_503 = arith.muli %add3A_501, %mul3A_502 : i32
    %add3A_504 = arith.constant 8 : i32
    %add3A_505 = arith.addi %mul3A_503, %add3A_504 : i32
    %get3A_506 = arith.index_cast %add3A_505 : i32 to index
    %get3A_507 = memref.load %arg1[%get3A_506] : memref<512xi32, #tpu.memory_space<smem>>
    %get3A_508 = arith.index_cast %add3A_505 : i32 to index
    %get3A_509 = memref.load %arg2[%get3A_508] : memref<512xi32, #tpu.memory_space<smem>>
    %get3A_510 = arith.constant 1 : index
    %get3A_511 = arith.index_cast %get3A_507 : i32 to index
    %get3A_512 = arith.constant 0 : index
    %get3A_513 = vector.load %arg3[%get3A_510, %get3A_511, %get3A_512] : memref<2x4096x128xf32, #tpu.memory_space<vmem>>, vector<1x512x128xf32>
    %get3A_514 = vector.shape_cast %get3A_513 : vector<1x512x128xf32> to vector<512x128xf32>
    %sub3A_515 = arith.constant 128 : i32
    %sub3A_516 = arith.subi %sub3A_515, %get3A_509 : i32
    %roll3A_517 = tpu.dynamic_rotate %get3A_514 by %sub3A_516 dim 1 : vector<512x128xf32>, i32 -> vector<512x128xf32>
    %slice3A_518 = vector.extract_strided_slice %roll3A_517 {offsets = [0, 0], sizes = [512, 64], strides = [1, 1]} : vector<512x128xf32> to vector<512x64xf32>
    %mul3A_519 = arith.constant 2 : i32
    %mul3A_520 = arith.muli %arg0, %mul3A_519 : i32
    %add3A_521 = arith.constant 1 : i32
    %add3A_522 = arith.addi %mul3A_520, %add3A_521 : i32
    %mul3A_523 = arith.constant 16 : i32
    %mul3A_524 = arith.muli %add3A_522, %mul3A_523 : i32
    %add3A_525 = arith.constant 9 : i32
    %add3A_526 = arith.addi %mul3A_524, %add3A_525 : i32
    %get3A_527 = arith.index_cast %add3A_526 : i32 to index
    %get3A_528 = memref.load %arg1[%get3A_527] : memref<512xi32, #tpu.memory_space<smem>>
    %get3A_529 = arith.index_cast %add3A_526 : i32 to index
    %get3A_530 = memref.load %arg2[%get3A_529] : memref<512xi32, #tpu.memory_space<smem>>
    %get3A_531 = arith.constant 1 : index
    %get3A_532 = arith.index_cast %get3A_528 : i32 to index
    %get3A_533 = arith.constant 0 : index
    %get3A_534 = vector.load %arg3[%get3A_531, %get3A_532, %get3A_533] : memref<2x4096x128xf32, #tpu.memory_space<vmem>>, vector<1x512x128xf32>
    %get3A_535 = vector.shape_cast %get3A_534 : vector<1x512x128xf32> to vector<512x128xf32>
    %sub3A_536 = arith.constant 128 : i32
    %sub3A_537 = arith.subi %sub3A_536, %get3A_530 : i32
    %roll3A_538 = tpu.dynamic_rotate %get3A_535 by %sub3A_537 dim 1 : vector<512x128xf32>, i32 -> vector<512x128xf32>
    %slice3A_539 = vector.extract_strided_slice %roll3A_538 {offsets = [0, 0], sizes = [512, 64], strides = [1, 1]} : vector<512x128xf32> to vector<512x64xf32>
    %mul3A_540 = arith.constant 2 : i32
    %mul3A_541 = arith.muli %arg0, %mul3A_540 : i32
    %add3A_542 = arith.constant 1 : i32
    %add3A_543 = arith.addi %mul3A_541, %add3A_542 : i32
    %mul3A_544 = arith.constant 16 : i32
    %mul3A_545 = arith.muli %add3A_543, %mul3A_544 : i32
    %add3A_546 = arith.constant 10 : i32
    %add3A_547 = arith.addi %mul3A_545, %add3A_546 : i32
    %get3A_548 = arith.index_cast %add3A_547 : i32 to index
    %get3A_549 = memref.load %arg1[%get3A_548] : memref<512xi32, #tpu.memory_space<smem>>
    %get3A_550 = arith.index_cast %add3A_547 : i32 to index
    %get3A_551 = memref.load %arg2[%get3A_550] : memref<512xi32, #tpu.memory_space<smem>>
    %get3A_552 = arith.constant 1 : index
    %get3A_553 = arith.index_cast %get3A_549 : i32 to index
    %get3A_554 = arith.constant 0 : index
    %get3A_555 = vector.load %arg3[%get3A_552, %get3A_553, %get3A_554] : memref<2x4096x128xf32, #tpu.memory_space<vmem>>, vector<1x512x128xf32>
    %get3A_556 = vector.shape_cast %get3A_555 : vector<1x512x128xf32> to vector<512x128xf32>
    %sub3A_557 = arith.constant 128 : i32
    %sub3A_558 = arith.subi %sub3A_557, %get3A_551 : i32
    %roll3A_559 = tpu.dynamic_rotate %get3A_556 by %sub3A_558 dim 1 : vector<512x128xf32>, i32 -> vector<512x128xf32>
    %slice3A_560 = vector.extract_strided_slice %roll3A_559 {offsets = [0, 0], sizes = [512, 64], strides = [1, 1]} : vector<512x128xf32> to vector<512x64xf32>
    %mul3A_561 = arith.constant 2 : i32
    %mul3A_562 = arith.muli %arg0, %mul3A_561 : i32
    %add3A_563 = arith.constant 1 : i32
    %add3A_564 = arith.addi %mul3A_562, %add3A_563 : i32
    %mul3A_565 = arith.constant 16 : i32
    %mul3A_566 = arith.muli %add3A_564, %mul3A_565 : i32
    %add3A_567 = arith.constant 11 : i32
    %add3A_568 = arith.addi %mul3A_566, %add3A_567 : i32
    %get3A_569 = arith.index_cast %add3A_568 : i32 to index
    %get3A_570 = memref.load %arg1[%get3A_569] : memref<512xi32, #tpu.memory_space<smem>>
    %get3A_571 = arith.index_cast %add3A_568 : i32 to index
    %get3A_572 = memref.load %arg2[%get3A_571] : memref<512xi32, #tpu.memory_space<smem>>
    %get3A_573 = arith.constant 1 : index
    %get3A_574 = arith.index_cast %get3A_570 : i32 to index
    %get3A_575 = arith.constant 0 : index
    %get3A_576 = vector.load %arg3[%get3A_573, %get3A_574, %get3A_575] : memref<2x4096x128xf32, #tpu.memory_space<vmem>>, vector<1x512x128xf32>
    %get3A_577 = vector.shape_cast %get3A_576 : vector<1x512x128xf32> to vector<512x128xf32>
    %sub3A_578 = arith.constant 128 : i32
    %sub3A_579 = arith.subi %sub3A_578, %get3A_572 : i32
    %roll3A_580 = tpu.dynamic_rotate %get3A_577 by %sub3A_579 dim 1 : vector<512x128xf32>, i32 -> vector<512x128xf32>
    %slice3A_581 = vector.extract_strided_slice %roll3A_580 {offsets = [0, 0], sizes = [512, 64], strides = [1, 1]} : vector<512x128xf32> to vector<512x64xf32>
    %mul3A_582 = arith.constant 2 : i32
    %mul3A_583 = arith.muli %arg0, %mul3A_582 : i32
    %add3A_584 = arith.constant 1 : i32
    %add3A_585 = arith.addi %mul3A_583, %add3A_584 : i32
    %mul3A_586 = arith.constant 16 : i32
    %mul3A_587 = arith.muli %add3A_585, %mul3A_586 : i32
    %add3A_588 = arith.constant 12 : i32
    %add3A_589 = arith.addi %mul3A_587, %add3A_588 : i32
    %get3A_590 = arith.index_cast %add3A_589 : i32 to index
    %get3A_591 = memref.load %arg1[%get3A_590] : memref<512xi32, #tpu.memory_space<smem>>
    %get3A_592 = arith.index_cast %add3A_589 : i32 to index
    %get3A_593 = memref.load %arg2[%get3A_592] : memref<512xi32, #tpu.memory_space<smem>>
    %get3A_594 = arith.constant 1 : index
    %get3A_595 = arith.index_cast %get3A_591 : i32 to index
    %get3A_596 = arith.constant 0 : index
    %get3A_597 = vector.load %arg3[%get3A_594, %get3A_595, %get3A_596] : memref<2x4096x128xf32, #tpu.memory_space<vmem>>, vector<1x512x128xf32>
    %get3A_598 = vector.shape_cast %get3A_597 : vector<1x512x128xf32> to vector<512x128xf32>
    %sub3A_599 = arith.constant 128 : i32
    %sub3A_600 = arith.subi %sub3A_599, %get3A_593 : i32
    %roll3A_601 = tpu.dynamic_rotate %get3A_598 by %sub3A_600 dim 1 : vector<512x128xf32>, i32 -> vector<512x128xf32>
    %slice3A_602 = vector.extract_strided_slice %roll3A_601 {offsets = [0, 0], sizes = [512, 64], strides = [1, 1]} : vector<512x128xf32> to vector<512x64xf32>
    %mul3A_603 = arith.constant 2 : i32
    %mul3A_604 = arith.muli %arg0, %mul3A_603 : i32
    %add3A_605 = arith.constant 1 : i32
    %add3A_606 = arith.addi %mul3A_604, %add3A_605 : i32
    %mul3A_607 = arith.constant 16 : i32
    %mul3A_608 = arith.muli %add3A_606, %mul3A_607 : i32
    %add3A_609 = arith.constant 13 : i32
    %add3A_610 = arith.addi %mul3A_608, %add3A_609 : i32
    %get3A_611 = arith.index_cast %add3A_610 : i32 to index
    %get3A_612 = memref.load %arg1[%get3A_611] : memref<512xi32, #tpu.memory_space<smem>>
    %get3A_613 = arith.index_cast %add3A_610 : i32 to index
    %get3A_614 = memref.load %arg2[%get3A_613] : memref<512xi32, #tpu.memory_space<smem>>
    %get3A_615 = arith.constant 1 : index
    %get3A_616 = arith.index_cast %get3A_612 : i32 to index
    %get3A_617 = arith.constant 0 : index
    %get3A_618 = vector.load %arg3[%get3A_615, %get3A_616, %get3A_617] : memref<2x4096x128xf32, #tpu.memory_space<vmem>>, vector<1x512x128xf32>
    %get3A_619 = vector.shape_cast %get3A_618 : vector<1x512x128xf32> to vector<512x128xf32>
    %sub3A_620 = arith.constant 128 : i32
    %sub3A_621 = arith.subi %sub3A_620, %get3A_614 : i32
    %roll3A_622 = tpu.dynamic_rotate %get3A_619 by %sub3A_621 dim 1 : vector<512x128xf32>, i32 -> vector<512x128xf32>
    %slice3A_623 = vector.extract_strided_slice %roll3A_622 {offsets = [0, 0], sizes = [512, 64], strides = [1, 1]} : vector<512x128xf32> to vector<512x64xf32>
    %mul3A_624 = arith.constant 2 : i32
    %mul3A_625 = arith.muli %arg0, %mul3A_624 : i32
    %add3A_626 = arith.constant 1 : i32
    %add3A_627 = arith.addi %mul3A_625, %add3A_626 : i32
    %mul3A_628 = arith.constant 16 : i32
    %mul3A_629 = arith.muli %add3A_627, %mul3A_628 : i32
    %add3A_630 = arith.constant 14 : i32
    %add3A_631 = arith.addi %mul3A_629, %add3A_630 : i32
    %get3A_632 = arith.index_cast %add3A_631 : i32 to index
    %get3A_633 = memref.load %arg1[%get3A_632] : memref<512xi32, #tpu.memory_space<smem>>
    %get3A_634 = arith.index_cast %add3A_631 : i32 to index
    %get3A_635 = memref.load %arg2[%get3A_634] : memref<512xi32, #tpu.memory_space<smem>>
    %get3A_636 = arith.constant 1 : index
    %get3A_637 = arith.index_cast %get3A_633 : i32 to index
    %get3A_638 = arith.constant 0 : index
    %get3A_639 = vector.load %arg3[%get3A_636, %get3A_637, %get3A_638] : memref<2x4096x128xf32, #tpu.memory_space<vmem>>, vector<1x512x128xf32>
    %get3A_640 = vector.shape_cast %get3A_639 : vector<1x512x128xf32> to vector<512x128xf32>
    %sub3A_641 = arith.constant 128 : i32
    %sub3A_642 = arith.subi %sub3A_641, %get3A_635 : i32
    %roll3A_643 = tpu.dynamic_rotate %get3A_640 by %sub3A_642 dim 1 : vector<512x128xf32>, i32 -> vector<512x128xf32>
    %slice3A_644 = vector.extract_strided_slice %roll3A_643 {offsets = [0, 0], sizes = [512, 64], strides = [1, 1]} : vector<512x128xf32> to vector<512x64xf32>
    %mul3A_645 = arith.constant 2 : i32
    %mul3A_646 = arith.muli %arg0, %mul3A_645 : i32
    %add3A_647 = arith.constant 1 : i32
    %add3A_648 = arith.addi %mul3A_646, %add3A_647 : i32
    %mul3A_649 = arith.constant 16 : i32
    %mul3A_650 = arith.muli %add3A_648, %mul3A_649 : i32
    %add3A_651 = arith.constant 15 : i32
    %add3A_652 = arith.addi %mul3A_650, %add3A_651 : i32
    %get3A_653 = arith.index_cast %add3A_652 : i32 to index
    %get3A_654 = memref.load %arg1[%get3A_653] : memref<512xi32, #tpu.memory_space<smem>>
    %get3A_655 = arith.index_cast %add3A_652 : i32 to index
    %get3A_656 = memref.load %arg2[%get3A_655] : memref<512xi32, #tpu.memory_space<smem>>
    %get3A_657 = arith.constant 1 : index
    %get3A_658 = arith.index_cast %get3A_654 : i32 to index
    %get3A_659 = arith.constant 0 : index
    %get3A_660 = vector.load %arg3[%get3A_657, %get3A_658, %get3A_659] : memref<2x4096x128xf32, #tpu.memory_space<vmem>>, vector<1x512x128xf32>
    %get3A_661 = vector.shape_cast %get3A_660 : vector<1x512x128xf32> to vector<512x128xf32>
    %sub3A_662 = arith.constant 128 : i32
    %sub3A_663 = arith.subi %sub3A_662, %get3A_656 : i32
    %roll3A_664 = tpu.dynamic_rotate %get3A_661 by %sub3A_663 dim 1 : vector<512x128xf32>, i32 -> vector<512x128xf32>
    %slice3A_665 = vector.extract_strided_slice %roll3A_664 {offsets = [0, 0], sizes = [512, 64], strides = [1, 1]} : vector<512x128xf32> to vector<512x64xf32>
    %concatenate3A = tpu.concatenate %slice3A, %slice3A_35, %slice3A_56, %slice3A_77, %slice3A_98, %slice3A_119, %slice3A_140, %slice3A_161, %slice3A_182, %slice3A_203, %slice3A_224, %slice3A_245, %slice3A_266, %slice3A_287, %slice3A_308, %slice3A_329, %slice3A_350, %slice3A_371, %slice3A_392, %slice3A_413, %slice3A_434, %slice3A_455, %slice3A_476, %slice3A_497, %slice3A_518, %slice3A_539, %slice3A_560, %slice3A_581, %slice3A_602, %slice3A_623, %slice3A_644, %slice3A_665 in 1 : vector<512x64xf32>, vector<512x64xf32>, vector<512x64xf32>, vector<512x64xf32>, vector<512x64xf32>, vector<512x64xf32>, vector<512x64xf32>, vector<512x64xf32>, vector<512x64xf32>, vector<512x64xf32>, vector<512x64xf32>, vector<512x64xf32>, vector<512x64xf32>, vector<512x64xf32>, vector<512x64xf32>, vector<512x64xf32>, vector<512x64xf32>, vector<512x64xf32>, vector<512x64xf32>, vector<512x64xf32>, vector<512x64xf32>, vector<512x64xf32>, vector<512x64xf32>, vector<512x64xf32>, vector<512x64xf32>, vector<512x64xf32>, vector<512x64xf32>, vector<512x64xf32>, vector<512x64xf32>, vector<512x64xf32>, vector<512x64xf32>, vector<512x64xf32> -> vector<512x2048xf32>
    %get3A_666 = arith.constant 0 : index
    %get3A_667 = arith.constant 0 : index
    %get3A_668 = vector.load %arg4[%get3A_666, %get3A_667] : memref<512x1024xf32, #tpu.memory_space<vmem>>, vector<512x1024xf32>
    %dot_general3A = arith.constant dense<0.000000e+00> : vector<2048x1024xf32>
    %dot_general3A_669 = tpu.matmul %concatenate3A, %get3A_668, %dot_general3A {dimension_numbers = #tpu.dot_dimension_numbers<[0], [0], [1], [1], [0, 1, 1, 1], [], []>, transpose_lhs_hint = false} : vector<512x2048xf32>, vector<512x1024xf32>, vector<2048x1024xf32> -> vector<2048x1024xf32>
    %slice3A_670 = vector.extract_strided_slice %dot_general3A_669 {offsets = [0, 0], sizes = [64, 1024], strides = [1, 1]} : vector<2048x1024xf32> to vector<64x1024xf32>
    %slice3A_671 = vector.extract_strided_slice %slice3A_670 {offsets = [0, 0], sizes = [64, 512], strides = [1, 1]} : vector<64x1024xf32> to vector<64x512xf32>
    %swap3A = arith.constant 0 : index
    %swap3A_672 = arith.constant 0 : index
    %swap3A_673 = arith.constant 0 : index
    %swap3A_674 = arith.constant 0 : index
    %swap3A_675 = arith.constant 0 : index
    %swap3A_676 = vector.load %arg5[%swap3A, %swap3A_672, %swap3A_673, %swap3A_674, %swap3A_675] : memref<2x2x16x64x512xf32, #tpu.memory_space<vmem>>, vector<1x1x1x64x512xf32>
    %swap3A_677 = vector.shape_cast %swap3A_676 : vector<1x1x1x64x512xf32> to vector<64x512xf32>
    %swap3A_678 = vector.shape_cast %slice3A_671 : vector<64x512xf32> to vector<1x1x1x64x512xf32>
    tpu.vector_store %arg5[%swap3A, %swap3A_672, %swap3A_673, %swap3A_674, %swap3A_675], %swap3A_678 {strides = array<i32>} : memref<2x2x16x64x512xf32, #tpu.memory_space<vmem>>, vector<1x1x1x64x512xf32>,
    %slice3A_679 = vector.extract_strided_slice %slice3A_670 {offsets = [0, 512], sizes = [64, 512], strides = [1, 1]} : vector<64x1024xf32> to vector<64x512xf32>
    %swap3A_680 = arith.constant 1 : index
    %swap3A_681 = arith.constant 0 : index
    %swap3A_682 = arith.constant 0 : index
    %swap3A_683 = arith.constant 0 : index
    %swap3A_684 = arith.constant 0 : index
    %swap3A_685 = vector.load %arg5[%swap3A_680, %swap3A_681, %swap3A_682, %swap3A_683, %swap3A_684] : memref<2x2x16x64x512xf32, #tpu.memory_space<vmem>>, vector<1x1x1x64x512xf32>
    %swap3A_686 = vector.shape_cast %swap3A_685 : vector<1x1x1x64x512xf32> to vector<64x512xf32>
    %swap3A_687 = vector.shape_cast %slice3A_679 : vector<64x512xf32> to vector<1x1x1x64x512xf32>
    tpu.vector_store %arg5[%swap3A_680, %swap3A_681, %swap3A_682, %swap3A_683, %swap3A_684], %swap3A_687 {strides = array<i32>} : memref<2x2x16x64x512xf32, #tpu.memory_space<vmem>>, vector<1x1x1x64x512xf32>,
    %slice3A_688 = vector.extract_strided_slice %dot_general3A_669 {offsets = [64, 0], sizes = [64, 1024], strides = [1, 1]} : vector<2048x1024xf32> to vector<64x1024xf32>
    %slice3A_689 = vector.extract_strided_slice %slice3A_688 {offsets = [0, 0], sizes = [64, 512], strides = [1, 1]} : vector<64x1024xf32> to vector<64x512xf32>
    %swap3A_690 = arith.constant 0 : index
    %swap3A_691 = arith.constant 0 : index
    %swap3A_692 = arith.constant 1 : index
    %swap3A_693 = arith.constant 0 : index
    %swap3A_694 = arith.constant 0 : index
    %swap3A_695 = vector.load %arg5[%swap3A_690, %swap3A_691, %swap3A_692, %swap3A_693, %swap3A_694] : memref<2x2x16x64x512xf32, #tpu.memory_space<vmem>>, vector<1x1x1x64x512xf32>
    %swap3A_696 = vector.shape_cast %swap3A_695 : vector<1x1x1x64x512xf32> to vector<64x512xf32>
    %swap3A_697 = vector.shape_cast %slice3A_689 : vector<64x512xf32> to vector<1x1x1x64x512xf32>
    tpu.vector_store %arg5[%swap3A_690, %swap3A_691, %swap3A_692, %swap3A_693, %swap3A_694], %swap3A_697 {strides = array<i32>} : memref<2x2x16x64x512xf32, #tpu.memory_space<vmem>>, vector<1x1x1x64x512xf32>,
    %slice3A_698 = vector.extract_strided_slice %slice3A_688 {offsets = [0, 512], sizes = [64, 512], strides = [1, 1]} : vector<64x1024xf32> to vector<64x512xf32>
    %swap3A_699 = arith.constant 1 : index
    %swap3A_700 = arith.constant 0 : index
    %swap3A_701 = arith.constant 1 : index
    %swap3A_702 = arith.constant 0 : index
    %swap3A_703 = arith.constant 0 : index
    %swap3A_704 = vector.load %arg5[%swap3A_699, %swap3A_700, %swap3A_701, %swap3A_702, %swap3A_703] : memref<2x2x16x64x512xf32, #tpu.memory_space<vmem>>, vector<1x1x1x64x512xf32>
    %swap3A_705 = vector.shape_cast %swap3A_704 : vector<1x1x1x64x512xf32> to vector<64x512xf32>
    %swap3A_706 = vector.shape_cast %slice3A_698 : vector<64x512xf32> to vector<1x1x1x64x512xf32>
    tpu.vector_store %arg5[%swap3A_699, %swap3A_700, %swap3A_701, %swap3A_702, %swap3A_703], %swap3A_706 {strides = array<i32>} : memref<2x2x16x64x512xf32, #tpu.memory_space<vmem>>, vector<1x1x1x64x512xf32>,
    %slice3A_707 = vector.extract_strided_slice %dot_general3A_669 {offsets = [128, 0], sizes = [64, 1024], strides = [1, 1]} : vector<2048x1024xf32> to vector<64x1024xf32>
    %slice3A_708 = vector.extract_strided_slice %slice3A_707 {offsets = [0, 0], sizes = [64, 512], strides = [1, 1]} : vector<64x1024xf32> to vector<64x512xf32>
    %swap3A_709 = arith.constant 0 : index
    %swap3A_710 = arith.constant 0 : index
    %swap3A_711 = arith.constant 2 : index
    %swap3A_712 = arith.constant 0 : index
    %swap3A_713 = arith.constant 0 : index
    %swap3A_714 = vector.load %arg5[%swap3A_709, %swap3A_710, %swap3A_711, %swap3A_712, %swap3A_713] : memref<2x2x16x64x512xf32, #tpu.memory_space<vmem>>, vector<1x1x1x64x512xf32>
    %swap3A_715 = vector.shape_cast %swap3A_714 : vector<1x1x1x64x512xf32> to vector<64x512xf32>
    %swap3A_716 = vector.shape_cast %slice3A_708 : vector<64x512xf32> to vector<1x1x1x64x512xf32>
    tpu.vector_store %arg5[%swap3A_709, %swap3A_710, %swap3A_711, %swap3A_712, %swap3A_713], %swap3A_716 {strides = array<i32>} : memref<2x2x16x64x512xf32, #tpu.memory_space<vmem>>, vector<1x1x1x64x512xf32>,
    %slice3A_717 = vector.extract_strided_slice %slice3A_707 {offsets = [0, 512], sizes = [64, 512], strides = [1, 1]} : vector<64x1024xf32> to vector<64x512xf32>
    %swap3A_718 = arith.constant 1 : index
    %swap3A_719 = arith.constant 0 : index
    %swap3A_720 = arith.constant 2 : index
    %swap3A_721 = arith.constant 0 : index
    %swap3A_722 = arith.constant 0 : index
    %swap3A_723 = vector.load %arg5[%swap3A_718, %swap3A_719, %swap3A_720, %swap3A_721, %swap3A_722] : memref<2x2x16x64x512xf32, #tpu.memory_space<vmem>>, vector<1x1x1x64x512xf32>
    %swap3A_724 = vector.shape_cast %swap3A_723 : vector<1x1x1x64x512xf32> to vector<64x512xf32>
    %swap3A_725 = vector.shape_cast %slice3A_717 : vector<64x512xf32> to vector<1x1x1x64x512xf32>
    tpu.vector_store %arg5[%swap3A_718, %swap3A_719, %swap3A_720, %swap3A_721, %swap3A_722], %swap3A_725 {strides = array<i32>} : memref<2x2x16x64x512xf32, #tpu.memory_space<vmem>>, vector<1x1x1x64x512xf32>,
    %slice3A_726 = vector.extract_strided_slice %dot_general3A_669 {offsets = [192, 0], sizes = [64, 1024], strides = [1, 1]} : vector<2048x1024xf32> to vector<64x1024xf32>
    %slice3A_727 = vector.extract_strided_slice %slice3A_726 {offsets = [0, 0], sizes = [64, 512], strides = [1, 1]} : vector<64x1024xf32> to vector<64x512xf32>
    %swap3A_728 = arith.constant 0 : index
    %swap3A_729 = arith.constant 0 : index
    %swap3A_730 = arith.constant 3 : index
    %swap3A_731 = arith.constant 0 : index
    %swap3A_732 = arith.constant 0 : index
    %swap3A_733 = vector.load %arg5[%swap3A_728, %swap3A_729, %swap3A_730, %swap3A_731, %swap3A_732] : memref<2x2x16x64x512xf32, #tpu.memory_space<vmem>>, vector<1x1x1x64x512xf32>
    %swap3A_734 = vector.shape_cast %swap3A_733 : vector<1x1x1x64x512xf32> to vector<64x512xf32>
    %swap3A_735 = vector.shape_cast %slice3A_727 : vector<64x512xf32> to vector<1x1x1x64x512xf32>
    tpu.vector_store %arg5[%swap3A_728, %swap3A_729, %swap3A_730, %swap3A_731, %swap3A_732], %swap3A_735 {strides = array<i32>} : memref<2x2x16x64x512xf32, #tpu.memory_space<vmem>>, vector<1x1x1x64x512xf32>,
    %slice3A_736 = vector.extract_strided_slice %slice3A_726 {offsets = [0, 512], sizes = [64, 512], strides = [1, 1]} : vector<64x1024xf32> to vector<64x512xf32>
    %swap3A_737 = arith.constant 1 : index
    %swap3A_738 = arith.constant 0 : index
    %swap3A_739 = arith.constant 3 : index
    %swap3A_740 = arith.constant 0 : index
    %swap3A_741 = arith.constant 0 : index
    %swap3A_742 = vector.load %arg5[%swap3A_737, %swap3A_738, %swap3A_739, %swap3A_740, %swap3A_741] : memref<2x2x16x64x512xf32, #tpu.memory_space<vmem>>, vector<1x1x1x64x512xf32>
    %swap3A_743 = vector.shape_cast %swap3A_742 : vector<1x1x1x64x512xf32> to vector<64x512xf32>
    %swap3A_744 = vector.shape_cast %slice3A_736 : vector<64x512xf32> to vector<1x1x1x64x512xf32>
    tpu.vector_store %arg5[%swap3A_737, %swap3A_738, %swap3A_739, %swap3A_740, %swap3A_741], %swap3A_744 {strides = array<i32>} : memref<2x2x16x64x512xf32, #tpu.memory_space<vmem>>, vector<1x1x1x64x512xf32>,
    %slice3A_745 = vector.extract_strided_slice %dot_general3A_669 {offsets = [256, 0], sizes = [64, 1024], strides = [1, 1]} : vector<2048x1024xf32> to vector<64x1024xf32>
    %slice3A_746 = vector.extract_strided_slice %slice3A_745 {offsets = [0, 0], sizes = [64, 512], strides = [1, 1]} : vector<64x1024xf32> to vector<64x512xf32>
    %swap3A_747 = arith.constant 0 : index
    %swap3A_748 = arith.constant 0 : index
    %swap3A_749 = arith.constant 4 : index
    %swap3A_750 = arith.constant 0 : index
    %swap3A_751 = arith.constant 0 : index
    %swap3A_752 = vector.load %arg5[%swap3A_747, %swap3A_748, %swap3A_749, %swap3A_750, %swap3A_751] : memref<2x2x16x64x512xf32, #tpu.memory_space<vmem>>, vector<1x1x1x64x512xf32>
    %swap3A_753 = vector.shape_cast %swap3A_752 : vector<1x1x1x64x512xf32> to vector<64x512xf32>
    %swap3A_754 = vector.shape_cast %slice3A_746 : vector<64x512xf32> to vector<1x1x1x64x512xf32>
    tpu.vector_store %arg5[%swap3A_747, %swap3A_748, %swap3A_749, %swap3A_750, %swap3A_751], %swap3A_754 {strides = array<i32>} : memref<2x2x16x64x512xf32, #tpu.memory_space<vmem>>, vector<1x1x1x64x512xf32>,
    %slice3A_755 = vector.extract_strided_slice %slice3A_745 {offsets = [0, 512], sizes = [64, 512], strides = [1, 1]} : vector<64x1024xf32> to vector<64x512xf32>
    %swap3A_756 = arith.constant 1 : index
    %swap3A_757 = arith.constant 0 : index
    %swap3A_758 = arith.constant 4 : index
    %swap3A_759 = arith.constant 0 : index
    %swap3A_760 = arith.constant 0 : index
    %swap3A_761 = vector.load %arg5[%swap3A_756, %swap3A_757, %swap3A_758, %swap3A_759, %swap3A_760] : memref<2x2x16x64x512xf32, #tpu.memory_space<vmem>>, vector<1x1x1x64x512xf32>
    %swap3A_762 = vector.shape_cast %swap3A_761 : vector<1x1x1x64x512xf32> to vector<64x512xf32>
    %swap3A_763 = vector.shape_cast %slice3A_755 : vector<64x512xf32> to vector<1x1x1x64x512xf32>
    tpu.vector_store %arg5[%swap3A_756, %swap3A_757, %swap3A_758, %swap3A_759, %swap3A_760], %swap3A_763 {strides = array<i32>} : memref<2x2x16x64x512xf32, #tpu.memory_space<vmem>>, vector<1x1x1x64x512xf32>,
    %slice3A_764 = vector.extract_strided_slice %dot_general3A_669 {offsets = [320, 0], sizes = [64, 1024], strides = [1, 1]} : vector<2048x1024xf32> to vector<64x1024xf32>
    %slice3A_765 = vector.extract_strided_slice %slice3A_764 {offsets = [0, 0], sizes = [64, 512], strides = [1, 1]} : vector<64x1024xf32> to vector<64x512xf32>
    %swap3A_766 = arith.constant 0 : index
    %swap3A_767 = arith.constant 0 : index
    %swap3A_768 = arith.constant 5 : index
    %swap3A_769 = arith.constant 0 : index
    %swap3A_770 = arith.constant 0 : index
    %swap3A_771 = vector.load %arg5[%swap3A_766, %swap3A_767, %swap3A_768, %swap3A_769, %swap3A_770] : memref<2x2x16x64x512xf32, #tpu.memory_space<vmem>>, vector<1x1x1x64x512xf32>
    %swap3A_772 = vector.shape_cast %swap3A_771 : vector<1x1x1x64x512xf32> to vector<64x512xf32>
    %swap3A_773 = vector.shape_cast %slice3A_765 : vector<64x512xf32> to vector<1x1x1x64x512xf32>
    tpu.vector_store %arg5[%swap3A_766, %swap3A_767, %swap3A_768, %swap3A_769, %swap3A_770], %swap3A_773 {strides = array<i32>} : memref<2x2x16x64x512xf32, #tpu.memory_space<vmem>>, vector<1x1x1x64x512xf32>,
    %slice3A_774 = vector.extract_strided_slice %slice3A_764 {offsets = [0, 512], sizes = [64, 512], strides = [1, 1]} : vector<64x1024xf32> to vector<64x512xf32>
    %swap3A_775 = arith.constant 1 : index
    %swap3A_776 = arith.constant 0 : index
    %swap3A_777 = arith.constant 5 : index
    %swap3A_778 = arith.constant 0 : index
    %swap3A_779 = arith.constant 0 : index
    %swap3A_780 = vector.load %arg5[%swap3A_775, %swap3A_776, %swap3A_777, %swap3A_778, %swap3A_779] : memref<2x2x16x64x512xf32, #tpu.memory_space<vmem>>, vector<1x1x1x64x512xf32>
    %swap3A_781 = vector.shape_cast %swap3A_780 : vector<1x1x1x64x512xf32> to vector<64x512xf32>
    %swap3A_782 = vector.shape_cast %slice3A_774 : vector<64x512xf32> to vector<1x1x1x64x512xf32>
    tpu.vector_store %arg5[%swap3A_775, %swap3A_776, %swap3A_777, %swap3A_778, %swap3A_779], %swap3A_782 {strides = array<i32>} : memref<2x2x16x64x512xf32, #tpu.memory_space<vmem>>, vector<1x1x1x64x512xf32>,
    %slice3A_783 = vector.extract_strided_slice %dot_general3A_669 {offsets = [384, 0], sizes = [64, 1024], strides = [1, 1]} : vector<2048x1024xf32> to vector<64x1024xf32>
    %slice3A_784 = vector.extract_strided_slice %slice3A_783 {offsets = [0, 0], sizes = [64, 512], strides = [1, 1]} : vector<64x1024xf32> to vector<64x512xf32>
    %swap3A_785 = arith.constant 0 : index
    %swap3A_786 = arith.constant 0 : index
    %swap3A_787 = arith.constant 6 : index
    %swap3A_788 = arith.constant 0 : index
    %swap3A_789 = arith.constant 0 : index
    %swap3A_790 = vector.load %arg5[%swap3A_785, %swap3A_786, %swap3A_787, %swap3A_788, %swap3A_789] : memref<2x2x16x64x512xf32, #tpu.memory_space<vmem>>, vector<1x1x1x64x512xf32>
    %swap3A_791 = vector.shape_cast %swap3A_790 : vector<1x1x1x64x512xf32> to vector<64x512xf32>
    %swap3A_792 = vector.shape_cast %slice3A_784 : vector<64x512xf32> to vector<1x1x1x64x512xf32>
    tpu.vector_store %arg5[%swap3A_785, %swap3A_786, %swap3A_787, %swap3A_788, %swap3A_789], %swap3A_792 {strides = array<i32>} : memref<2x2x16x64x512xf32, #tpu.memory_space<vmem>>, vector<1x1x1x64x512xf32>,
    %slice3A_793 = vector.extract_strided_slice %slice3A_783 {offsets = [0, 512], sizes = [64, 512], strides = [1, 1]} : vector<64x1024xf32> to vector<64x512xf32>
    %swap3A_794 = arith.constant 1 : index
    %swap3A_795 = arith.constant 0 : index
    %swap3A_796 = arith.constant 6 : index
    %swap3A_797 = arith.constant 0 : index
    %swap3A_798 = arith.constant 0 : index
    %swap3A_799 = vector.load %arg5[%swap3A_794, %swap3A_795, %swap3A_796, %swap3A_797, %swap3A_798] : memref<2x2x16x64x512xf32, #tpu.memory_space<vmem>>, vector<1x1x1x64x512xf32>
    %swap3A_800 = vector.shape_cast %swap3A_799 : vector<1x1x1x64x512xf32> to vector<64x512xf32>
    %swap3A_801 = vector.shape_cast %slice3A_793 : vector<64x512xf32> to vector<1x1x1x64x512xf32>
    tpu.vector_store %arg5[%swap3A_794, %swap3A_795, %swap3A_796, %swap3A_797, %swap3A_798], %swap3A_801 {strides = array<i32>} : memref<2x2x16x64x512xf32, #tpu.memory_space<vmem>>, vector<1x1x1x64x512xf32>,
    %slice3A_802 = vector.extract_strided_slice %dot_general3A_669 {offsets = [448, 0], sizes = [64, 1024], strides = [1, 1]} : vector<2048x1024xf32> to vector<64x1024xf32>
    %slice3A_803 = vector.extract_strided_slice %slice3A_802 {offsets = [0, 0], sizes = [64, 512], strides = [1, 1]} : vector<64x1024xf32> to vector<64x512xf32>
    %swap3A_804 = arith.constant 0 : index
    %swap3A_805 = arith.constant 0 : index
    %swap3A_806 = arith.constant 7 : index
    %swap3A_807 = arith.constant 0 : index
    %swap3A_808 = arith.constant 0 : index
    %swap3A_809 = vector.load %arg5[%swap3A_804, %swap3A_805, %swap3A_806, %swap3A_807, %swap3A_808] : memref<2x2x16x64x512xf32, #tpu.memory_space<vmem>>, vector<1x1x1x64x512xf32>
    %swap3A_810 = vector.shape_cast %swap3A_809 : vector<1x1x1x64x512xf32> to vector<64x512xf32>
    %swap3A_811 = vector.shape_cast %slice3A_803 : vector<64x512xf32> to vector<1x1x1x64x512xf32>
    tpu.vector_store %arg5[%swap3A_804, %swap3A_805, %swap3A_806, %swap3A_807, %swap3A_808], %swap3A_811 {strides = array<i32>} : memref<2x2x16x64x512xf32, #tpu.memory_space<vmem>>, vector<1x1x1x64x512xf32>,
    %slice3A_812 = vector.extract_strided_slice %slice3A_802 {offsets = [0, 512], sizes = [64, 512], strides = [1, 1]} : vector<64x1024xf32> to vector<64x512xf32>
    %swap3A_813 = arith.constant 1 : index
    %swap3A_814 = arith.constant 0 : index
    %swap3A_815 = arith.constant 7 : index
    %swap3A_816 = arith.constant 0 : index
    %swap3A_817 = arith.constant 0 : index
    %swap3A_818 = vector.load %arg5[%swap3A_813, %swap3A_814, %swap3A_815, %swap3A_816, %swap3A_817] : memref<2x2x16x64x512xf32, #tpu.memory_space<vmem>>, vector<1x1x1x64x512xf32>
    %swap3A_819 = vector.shape_cast %swap3A_818 : vector<1x1x1x64x512xf32> to vector<64x512xf32>
    %swap3A_820 = vector.shape_cast %slice3A_812 : vector<64x512xf32> to vector<1x1x1x64x512xf32>
    tpu.vector_store %arg5[%swap3A_813, %swap3A_814, %swap3A_815, %swap3A_816, %swap3A_817], %swap3A_820 {strides = array<i32>} : memref<2x2x16x64x512xf32, #tpu.memory_space<vmem>>, vector<1x1x1x64x512xf32>,
    %slice3A_821 = vector.extract_strided_slice %dot_general3A_669 {offsets = [512, 0], sizes = [64, 1024], strides = [1, 1]} : vector<2048x1024xf32> to vector<64x1024xf32>
    %slice3A_822 = vector.extract_strided_slice %slice3A_821 {offsets = [0, 0], sizes = [64, 512], strides = [1, 1]} : vector<64x1024xf32> to vector<64x512xf32>
    %swap3A_823 = arith.constant 0 : index
    %swap3A_824 = arith.constant 0 : index
    %swap3A_825 = arith.constant 8 : index
    %swap3A_826 = arith.constant 0 : index
    %swap3A_827 = arith.constant 0 : index
    %swap3A_828 = vector.load %arg5[%swap3A_823, %swap3A_824, %swap3A_825, %swap3A_826, %swap3A_827] : memref<2x2x16x64x512xf32, #tpu.memory_space<vmem>>, vector<1x1x1x64x512xf32>
    %swap3A_829 = vector.shape_cast %swap3A_828 : vector<1x1x1x64x512xf32> to vector<64x512xf32>
    %swap3A_830 = vector.shape_cast %slice3A_822 : vector<64x512xf32> to vector<1x1x1x64x512xf32>
    tpu.vector_store %arg5[%swap3A_823, %swap3A_824, %swap3A_825, %swap3A_826, %swap3A_827], %swap3A_830 {strides = array<i32>} : memref<2x2x16x64x512xf32, #tpu.memory_space<vmem>>, vector<1x1x1x64x512xf32>,
    %slice3A_831 = vector.extract_strided_slice %slice3A_821 {offsets = [0, 512], sizes = [64, 512], strides = [1, 1]} : vector<64x1024xf32> to vector<64x512xf32>
    %swap3A_832 = arith.constant 1 : index
    %swap3A_833 = arith.constant 0 : index
    %swap3A_834 = arith.constant 8 : index
    %swap3A_835 = arith.constant 0 : index
    %swap3A_836 = arith.constant 0 : index
    %swap3A_837 = vector.load %arg5[%swap3A_832, %swap3A_833, %swap3A_834, %swap3A_835, %swap3A_836] : memref<2x2x16x64x512xf32, #tpu.memory_space<vmem>>, vector<1x1x1x64x512xf32>
    %swap3A_838 = vector.shape_cast %swap3A_837 : vector<1x1x1x64x512xf32> to vector<64x512xf32>
    %swap3A_839 = vector.shape_cast %slice3A_831 : vector<64x512xf32> to vector<1x1x1x64x512xf32>
    tpu.vector_store %arg5[%swap3A_832, %swap3A_833, %swap3A_834, %swap3A_835, %swap3A_836], %swap3A_839 {strides = array<i32>} : memref<2x2x16x64x512xf32, #tpu.memory_space<vmem>>, vector<1x1x1x64x512xf32>,
    %slice3A_840 = vector.extract_strided_slice %dot_general3A_669 {offsets = [576, 0], sizes = [64, 1024], strides = [1, 1]} : vector<2048x1024xf32> to vector<64x1024xf32>
    %slice3A_841 = vector.extract_strided_slice %slice3A_840 {offsets = [0, 0], sizes = [64, 512], strides = [1, 1]} : vector<64x1024xf32> to vector<64x512xf32>
    %swap3A_842 = arith.constant 0 : index
    %swap3A_843 = arith.constant 0 : index
    %swap3A_844 = arith.constant 9 : index
    %swap3A_845 = arith.constant 0 : index
    %swap3A_846 = arith.constant 0 : index
    %swap3A_847 = vector.load %arg5[%swap3A_842, %swap3A_843, %swap3A_844, %swap3A_845, %swap3A_846] : memref<2x2x16x64x512xf32, #tpu.memory_space<vmem>>, vector<1x1x1x64x512xf32>
    %swap3A_848 = vector.shape_cast %swap3A_847 : vector<1x1x1x64x512xf32> to vector<64x512xf32>
    %swap3A_849 = vector.shape_cast %slice3A_841 : vector<64x512xf32> to vector<1x1x1x64x512xf32>
    tpu.vector_store %arg5[%swap3A_842, %swap3A_843, %swap3A_844, %swap3A_845, %swap3A_846], %swap3A_849 {strides = array<i32>} : memref<2x2x16x64x512xf32, #tpu.memory_space<vmem>>, vector<1x1x1x64x512xf32>,
    %slice3A_850 = vector.extract_strided_slice %slice3A_840 {offsets = [0, 512], sizes = [64, 512], strides = [1, 1]} : vector<64x1024xf32> to vector<64x512xf32>
    %swap3A_851 = arith.constant 1 : index
    %swap3A_852 = arith.constant 0 : index
    %swap3A_853 = arith.constant 9 : index
    %swap3A_854 = arith.constant 0 : index
    %swap3A_855 = arith.constant 0 : index
    %swap3A_856 = vector.load %arg5[%swap3A_851, %swap3A_852, %swap3A_853, %swap3A_854, %swap3A_855] : memref<2x2x16x64x512xf32, #tpu.memory_space<vmem>>, vector<1x1x1x64x512xf32>
    %swap3A_857 = vector.shape_cast %swap3A_856 : vector<1x1x1x64x512xf32> to vector<64x512xf32>
    %swap3A_858 = vector.shape_cast %slice3A_850 : vector<64x512xf32> to vector<1x1x1x64x512xf32>
    tpu.vector_store %arg5[%swap3A_851, %swap3A_852, %swap3A_853, %swap3A_854, %swap3A_855], %swap3A_858 {strides = array<i32>} : memref<2x2x16x64x512xf32, #tpu.memory_space<vmem>>, vector<1x1x1x64x512xf32>,
    %slice3A_859 = vector.extract_strided_slice %dot_general3A_669 {offsets = [640, 0], sizes = [64, 1024], strides = [1, 1]} : vector<2048x1024xf32> to vector<64x1024xf32>
    %slice3A_860 = vector.extract_strided_slice %slice3A_859 {offsets = [0, 0], sizes = [64, 512], strides = [1, 1]} : vector<64x1024xf32> to vector<64x512xf32>
    %swap3A_861 = arith.constant 0 : index
    %swap3A_862 = arith.constant 0 : index
    %swap3A_863 = arith.constant 10 : index
    %swap3A_864 = arith.constant 0 : index
    %swap3A_865 = arith.constant 0 : index
    %swap3A_866 = vector.load %arg5[%swap3A_861, %swap3A_862, %swap3A_863, %swap3A_864, %swap3A_865] : memref<2x2x16x64x512xf32, #tpu.memory_space<vmem>>, vector<1x1x1x64x512xf32>
    %swap3A_867 = vector.shape_cast %swap3A_866 : vector<1x1x1x64x512xf32> to vector<64x512xf32>
    %swap3A_868 = vector.shape_cast %slice3A_860 : vector<64x512xf32> to vector<1x1x1x64x512xf32>
    tpu.vector_store %arg5[%swap3A_861, %swap3A_862, %swap3A_863, %swap3A_864, %swap3A_865], %swap3A_868 {strides = array<i32>} : memref<2x2x16x64x512xf32, #tpu.memory_space<vmem>>, vector<1x1x1x64x512xf32>,
    %slice3A_869 = vector.extract_strided_slice %slice3A_859 {offsets = [0, 512], sizes = [64, 512], strides = [1, 1]} : vector<64x1024xf32> to vector<64x512xf32>
    %swap3A_870 = arith.constant 1 : index
    %swap3A_871 = arith.constant 0 : index
    %swap3A_872 = arith.constant 10 : index
    %swap3A_873 = arith.constant 0 : index
    %swap3A_874 = arith.constant 0 : index
    %swap3A_875 = vector.load %arg5[%swap3A_870, %swap3A_871, %swap3A_872, %swap3A_873, %swap3A_874] : memref<2x2x16x64x512xf32, #tpu.memory_space<vmem>>, vector<1x1x1x64x512xf32>
    %swap3A_876 = vector.shape_cast %swap3A_875 : vector<1x1x1x64x512xf32> to vector<64x512xf32>
    %swap3A_877 = vector.shape_cast %slice3A_869 : vector<64x512xf32> to vector<1x1x1x64x512xf32>
    tpu.vector_store %arg5[%swap3A_870, %swap3A_871, %swap3A_872, %swap3A_873, %swap3A_874], %swap3A_877 {strides = array<i32>} : memref<2x2x16x64x512xf32, #tpu.memory_space<vmem>>, vector<1x1x1x64x512xf32>,
    %slice3A_878 = vector.extract_strided_slice %dot_general3A_669 {offsets = [704, 0], sizes = [64, 1024], strides = [1, 1]} : vector<2048x1024xf32> to vector<64x1024xf32>
    %slice3A_879 = vector.extract_strided_slice %slice3A_878 {offsets = [0, 0], sizes = [64, 512], strides = [1, 1]} : vector<64x1024xf32> to vector<64x512xf32>
    %swap3A_880 = arith.constant 0 : index
    %swap3A_881 = arith.constant 0 : index
    %swap3A_882 = arith.constant 11 : index
    %swap3A_883 = arith.constant 0 : index
    %swap3A_884 = arith.constant 0 : index
    %swap3A_885 = vector.load %arg5[%swap3A_880, %swap3A_881, %swap3A_882, %swap3A_883, %swap3A_884] : memref<2x2x16x64x512xf32, #tpu.memory_space<vmem>>, vector<1x1x1x64x512xf32>
    %swap3A_886 = vector.shape_cast %swap3A_885 : vector<1x1x1x64x512xf32> to vector<64x512xf32>
    %swap3A_887 = vector.shape_cast %slice3A_879 : vector<64x512xf32> to vector<1x1x1x64x512xf32>
    tpu.vector_store %arg5[%swap3A_880, %swap3A_881, %swap3A_882, %swap3A_883, %swap3A_884], %swap3A_887 {strides = array<i32>} : memref<2x2x16x64x512xf32, #tpu.memory_space<vmem>>, vector<1x1x1x64x512xf32>,
    %slice3A_888 = vector.extract_strided_slice %slice3A_878 {offsets = [0, 512], sizes = [64, 512], strides = [1, 1]} : vector<64x1024xf32> to vector<64x512xf32>
    %swap3A_889 = arith.constant 1 : index
    %swap3A_890 = arith.constant 0 : index
    %swap3A_891 = arith.constant 11 : index
    %swap3A_892 = arith.constant 0 : index
    %swap3A_893 = arith.constant 0 : index
    %swap3A_894 = vector.load %arg5[%swap3A_889, %swap3A_890, %swap3A_891, %swap3A_892, %swap3A_893] : memref<2x2x16x64x512xf32, #tpu.memory_space<vmem>>, vector<1x1x1x64x512xf32>
    %swap3A_895 = vector.shape_cast %swap3A_894 : vector<1x1x1x64x512xf32> to vector<64x512xf32>
    %swap3A_896 = vector.shape_cast %slice3A_888 : vector<64x512xf32> to vector<1x1x1x64x512xf32>
    tpu.vector_store %arg5[%swap3A_889, %swap3A_890, %swap3A_891, %swap3A_892, %swap3A_893], %swap3A_896 {strides = array<i32>} : memref<2x2x16x64x512xf32, #tpu.memory_space<vmem>>, vector<1x1x1x64x512xf32>,
    %slice3A_897 = vector.extract_strided_slice %dot_general3A_669 {offsets = [768, 0], sizes = [64, 1024], strides = [1, 1]} : vector<2048x1024xf32> to vector<64x1024xf32>
    %slice3A_898 = vector.extract_strided_slice %slice3A_897 {offsets = [0, 0], sizes = [64, 512], strides = [1, 1]} : vector<64x1024xf32> to vector<64x512xf32>
    %swap3A_899 = arith.constant 0 : index
    %swap3A_900 = arith.constant 0 : index
    %swap3A_901 = arith.constant 12 : index
    %swap3A_902 = arith.constant 0 : index
    %swap3A_903 = arith.constant 0 : index
    %swap3A_904 = vector.load %arg5[%swap3A_899, %swap3A_900, %swap3A_901, %swap3A_902, %swap3A_903] : memref<2x2x16x64x512xf32, #tpu.memory_space<vmem>>, vector<1x1x1x64x512xf32>
    %swap3A_905 = vector.shape_cast %swap3A_904 : vector<1x1x1x64x512xf32> to vector<64x512xf32>
    %swap3A_906 = vector.shape_cast %slice3A_898 : vector<64x512xf32> to vector<1x1x1x64x512xf32>
    tpu.vector_store %arg5[%swap3A_899, %swap3A_900, %swap3A_901, %swap3A_902, %swap3A_903], %swap3A_906 {strides = array<i32>} : memref<2x2x16x64x512xf32, #tpu.memory_space<vmem>>, vector<1x1x1x64x512xf32>,
    %slice3A_907 = vector.extract_strided_slice %slice3A_897 {offsets = [0, 512], sizes = [64, 512], strides = [1, 1]} : vector<64x1024xf32> to vector<64x512xf32>
    %swap3A_908 = arith.constant 1 : index
    %swap3A_909 = arith.constant 0 : index
    %swap3A_910 = arith.constant 12 : index
    %swap3A_911 = arith.constant 0 : index
    %swap3A_912 = arith.constant 0 : index
    %swap3A_913 = vector.load %arg5[%swap3A_908, %swap3A_909, %swap3A_910, %swap3A_911, %swap3A_912] : memref<2x2x16x64x512xf32, #tpu.memory_space<vmem>>, vector<1x1x1x64x512xf32>
    %swap3A_914 = vector.shape_cast %swap3A_913 : vector<1x1x1x64x512xf32> to vector<64x512xf32>
    %swap3A_915 = vector.shape_cast %slice3A_907 : vector<64x512xf32> to vector<1x1x1x64x512xf32>
    tpu.vector_store %arg5[%swap3A_908, %swap3A_909, %swap3A_910, %swap3A_911, %swap3A_912], %swap3A_915 {strides = array<i32>} : memref<2x2x16x64x512xf32, #tpu.memory_space<vmem>>, vector<1x1x1x64x512xf32>,
    %slice3A_916 = vector.extract_strided_slice %dot_general3A_669 {offsets = [832, 0], sizes = [64, 1024], strides = [1, 1]} : vector<2048x1024xf32> to vector<64x1024xf32>
    %slice3A_917 = vector.extract_strided_slice %slice3A_916 {offsets = [0, 0], sizes = [64, 512], strides = [1, 1]} : vector<64x1024xf32> to vector<64x512xf32>
    %swap3A_918 = arith.constant 0 : index
    %swap3A_919 = arith.constant 0 : index
    %swap3A_920 = arith.constant 13 : index
    %swap3A_921 = arith.constant 0 : index
    %swap3A_922 = arith.constant 0 : index
    %swap3A_923 = vector.load %arg5[%swap3A_918, %swap3A_919, %swap3A_920, %swap3A_921, %swap3A_922] : memref<2x2x16x64x512xf32, #tpu.memory_space<vmem>>, vector<1x1x1x64x512xf32>
    %swap3A_924 = vector.shape_cast %swap3A_923 : vector<1x1x1x64x512xf32> to vector<64x512xf32>
    %swap3A_925 = vector.shape_cast %slice3A_917 : vector<64x512xf32> to vector<1x1x1x64x512xf32>
    tpu.vector_store %arg5[%swap3A_918, %swap3A_919, %swap3A_920, %swap3A_921, %swap3A_922], %swap3A_925 {strides = array<i32>} : memref<2x2x16x64x512xf32, #tpu.memory_space<vmem>>, vector<1x1x1x64x512xf32>,
    %slice3A_926 = vector.extract_strided_slice %slice3A_916 {offsets = [0, 512], sizes = [64, 512], strides = [1, 1]} : vector<64x1024xf32> to vector<64x512xf32>
    %swap3A_927 = arith.constant 1 : index
    %swap3A_928 = arith.constant 0 : index
    %swap3A_929 = arith.constant 13 : index
    %swap3A_930 = arith.constant 0 : index
    %swap3A_931 = arith.constant 0 : index
    %swap3A_932 = vector.load %arg5[%swap3A_927, %swap3A_928, %swap3A_929, %swap3A_930, %swap3A_931] : memref<2x2x16x64x512xf32, #tpu.memory_space<vmem>>, vector<1x1x1x64x512xf32>
    %swap3A_933 = vector.shape_cast %swap3A_932 : vector<1x1x1x64x512xf32> to vector<64x512xf32>
    %swap3A_934 = vector.shape_cast %slice3A_926 : vector<64x512xf32> to vector<1x1x1x64x512xf32>
    tpu.vector_store %arg5[%swap3A_927, %swap3A_928, %swap3A_929, %swap3A_930, %swap3A_931], %swap3A_934 {strides = array<i32>} : memref<2x2x16x64x512xf32, #tpu.memory_space<vmem>>, vector<1x1x1x64x512xf32>,
    %slice3A_935 = vector.extract_strided_slice %dot_general3A_669 {offsets = [896, 0], sizes = [64, 1024], strides = [1, 1]} : vector<2048x1024xf32> to vector<64x1024xf32>
    %slice3A_936 = vector.extract_strided_slice %slice3A_935 {offsets = [0, 0], sizes = [64, 512], strides = [1, 1]} : vector<64x1024xf32> to vector<64x512xf32>
    %swap3A_937 = arith.constant 0 : index
    %swap3A_938 = arith.constant 0 : index
    %swap3A_939 = arith.constant 14 : index
    %swap3A_940 = arith.constant 0 : index
    %swap3A_941 = arith.constant 0 : index
    %swap3A_942 = vector.load %arg5[%swap3A_937, %swap3A_938, %swap3A_939, %swap3A_940, %swap3A_941] : memref<2x2x16x64x512xf32, #tpu.memory_space<vmem>>, vector<1x1x1x64x512xf32>
    %swap3A_943 = vector.shape_cast %swap3A_942 : vector<1x1x1x64x512xf32> to vector<64x512xf32>
    %swap3A_944 = vector.shape_cast %slice3A_936 : vector<64x512xf32> to vector<1x1x1x64x512xf32>
    tpu.vector_store %arg5[%swap3A_937, %swap3A_938, %swap3A_939, %swap3A_940, %swap3A_941], %swap3A_944 {strides = array<i32>} : memref<2x2x16x64x512xf32, #tpu.memory_space<vmem>>, vector<1x1x1x64x512xf32>,
    %slice3A_945 = vector.extract_strided_slice %slice3A_935 {offsets = [0, 512], sizes = [64, 512], strides = [1, 1]} : vector<64x1024xf32> to vector<64x512xf32>
    %swap3A_946 = arith.constant 1 : index
    %swap3A_947 = arith.constant 0 : index
    %swap3A_948 = arith.constant 14 : index
    %swap3A_949 = arith.constant 0 : index
    %swap3A_950 = arith.constant 0 : index
    %swap3A_951 = vector.load %arg5[%swap3A_946, %swap3A_947, %swap3A_948, %swap3A_949, %swap3A_950] : memref<2x2x16x64x512xf32, #tpu.memory_space<vmem>>, vector<1x1x1x64x512xf32>
    %swap3A_952 = vector.shape_cast %swap3A_951 : vector<1x1x1x64x512xf32> to vector<64x512xf32>
    %swap3A_953 = vector.shape_cast %slice3A_945 : vector<64x512xf32> to vector<1x1x1x64x512xf32>
    tpu.vector_store %arg5[%swap3A_946, %swap3A_947, %swap3A_948, %swap3A_949, %swap3A_950], %swap3A_953 {strides = array<i32>} : memref<2x2x16x64x512xf32, #tpu.memory_space<vmem>>, vector<1x1x1x64x512xf32>,
    %slice3A_954 = vector.extract_strided_slice %dot_general3A_669 {offsets = [960, 0], sizes = [64, 1024], strides = [1, 1]} : vector<2048x1024xf32> to vector<64x1024xf32>
    %slice3A_955 = vector.extract_strided_slice %slice3A_954 {offsets = [0, 0], sizes = [64, 512], strides = [1, 1]} : vector<64x1024xf32> to vector<64x512xf32>
    %swap3A_956 = arith.constant 0 : index
    %swap3A_957 = arith.constant 0 : index
    %swap3A_958 = arith.constant 15 : index
    %swap3A_959 = arith.constant 0 : index
    %swap3A_960 = arith.constant 0 : index
    %swap3A_961 = vector.load %arg5[%swap3A_956, %swap3A_957, %swap3A_958, %swap3A_959, %swap3A_960] : memref<2x2x16x64x512xf32, #tpu.memory_space<vmem>>, vector<1x1x1x64x512xf32>
    %swap3A_962 = vector.shape_cast %swap3A_961 : vector<1x1x1x64x512xf32> to vector<64x512xf32>
    %swap3A_963 = vector.shape_cast %slice3A_955 : vector<64x512xf32> to vector<1x1x1x64x512xf32>
    tpu.vector_store %arg5[%swap3A_956, %swap3A_957, %swap3A_958, %swap3A_959, %swap3A_960], %swap3A_963 {strides = array<i32>} : memref<2x2x16x64x512xf32, #tpu.memory_space<vmem>>, vector<1x1x1x64x512xf32>,
    %slice3A_964 = vector.extract_strided_slice %slice3A_954 {offsets = [0, 512], sizes = [64, 512], strides = [1, 1]} : vector<64x1024xf32> to vector<64x512xf32>
    %swap3A_965 = arith.constant 1 : index
    %swap3A_966 = arith.constant 0 : index
    %swap3A_967 = arith.constant 15 : index
    %swap3A_968 = arith.constant 0 : index
    %swap3A_969 = arith.constant 0 : index
    %swap3A_970 = vector.load %arg5[%swap3A_965, %swap3A_966, %swap3A_967, %swap3A_968, %swap3A_969] : memref<2x2x16x64x512xf32, #tpu.memory_space<vmem>>, vector<1x1x1x64x512xf32>
    %swap3A_971 = vector.shape_cast %swap3A_970 : vector<1x1x1x64x512xf32> to vector<64x512xf32>
    %swap3A_972 = vector.shape_cast %slice3A_964 : vector<64x512xf32> to vector<1x1x1x64x512xf32>
    tpu.vector_store %arg5[%swap3A_965, %swap3A_966, %swap3A_967, %swap3A_968, %swap3A_969], %swap3A_972 {strides = array<i32>} : memref<2x2x16x64x512xf32, #tpu.memory_space<vmem>>, vector<1x1x1x64x512xf32>,
    %slice3A_973 = vector.extract_strided_slice %dot_general3A_669 {offsets = [1024, 0], sizes = [64, 1024], strides = [1, 1]} : vector<2048x1024xf32> to vector<64x1024xf32>
    %slice3A_974 = vector.extract_strided_slice %slice3A_973 {offsets = [0, 0], sizes = [64, 512], strides = [1, 1]} : vector<64x1024xf32> to vector<64x512xf32>
    %swap3A_975 = arith.constant 0 : index
    %swap3A_976 = arith.constant 1 : index
    %swap3A_977 = arith.constant 0 : index
    %swap3A_978 = arith.constant 0 : index
    %swap3A_979 = arith.constant 0 : index
    %swap3A_980 = vector.load %arg5[%swap3A_975, %swap3A_976, %swap3A_977, %swap3A_978, %swap3A_979] : memref<2x2x16x64x512xf32, #tpu.memory_space<vmem>>, vector<1x1x1x64x512xf32>
    %swap3A_981 = vector.shape_cast %swap3A_980 : vector<1x1x1x64x512xf32> to vector<64x512xf32>
    %swap3A_982 = vector.shape_cast %slice3A_974 : vector<64x512xf32> to vector<1x1x1x64x512xf32>
    tpu.vector_store %arg5[%swap3A_975, %swap3A_976, %swap3A_977, %swap3A_978, %swap3A_979], %swap3A_982 {strides = array<i32>} : memref<2x2x16x64x512xf32, #tpu.memory_space<vmem>>, vector<1x1x1x64x512xf32>,
    %slice3A_983 = vector.extract_strided_slice %slice3A_973 {offsets = [0, 512], sizes = [64, 512], strides = [1, 1]} : vector<64x1024xf32> to vector<64x512xf32>
    %swap3A_984 = arith.constant 1 : index
    %swap3A_985 = arith.constant 1 : index
    %swap3A_986 = arith.constant 0 : index
    %swap3A_987 = arith.constant 0 : index
    %swap3A_988 = arith.constant 0 : index
    %swap3A_989 = vector.load %arg5[%swap3A_984, %swap3A_985, %swap3A_986, %swap3A_987, %swap3A_988] : memref<2x2x16x64x512xf32, #tpu.memory_space<vmem>>, vector<1x1x1x64x512xf32>
    %swap3A_990 = vector.shape_cast %swap3A_989 : vector<1x1x1x64x512xf32> to vector<64x512xf32>
    %swap3A_991 = vector.shape_cast %slice3A_983 : vector<64x512xf32> to vector<1x1x1x64x512xf32>
    tpu.vector_store %arg5[%swap3A_984, %swap3A_985, %swap3A_986, %swap3A_987, %swap3A_988], %swap3A_991 {strides = array<i32>} : memref<2x2x16x64x512xf32, #tpu.memory_space<vmem>>, vector<1x1x1x64x512xf32>,
    %slice3A_992 = vector.extract_strided_slice %dot_general3A_669 {offsets = [1088, 0], sizes = [64, 1024], strides = [1, 1]} : vector<2048x1024xf32> to vector<64x1024xf32>
    %slice3A_993 = vector.extract_strided_slice %slice3A_992 {offsets = [0, 0], sizes = [64, 512], strides = [1, 1]} : vector<64x1024xf32> to vector<64x512xf32>
    %swap3A_994 = arith.constant 0 : index
    %swap3A_995 = arith.constant 1 : index
    %swap3A_996 = arith.constant 1 : index
    %swap3A_997 = arith.constant 0 : index
    %swap3A_998 = arith.constant 0 : index
    %swap3A_999 = vector.load %arg5[%swap3A_994, %swap3A_995, %swap3A_996, %swap3A_997, %swap3A_998] : memref<2x2x16x64x512xf32, #tpu.memory_space<vmem>>, vector<1x1x1x64x512xf32>
    %swap3A_1000 = vector.shape_cast %swap3A_999 : vector<1x1x1x64x512xf32> to vector<64x512xf32>
    %swap3A_1001 = vector.shape_cast %slice3A_993 : vector<64x512xf32> to vector<1x1x1x64x512xf32>
    tpu.vector_store %arg5[%swap3A_994, %swap3A_995, %swap3A_996, %swap3A_997, %swap3A_998], %swap3A_1001 {strides = array<i32>} : memref<2x2x16x64x512xf32, #tpu.memory_space<vmem>>, vector<1x1x1x64x512xf32>,
    %slice3A_1002 = vector.extract_strided_slice %slice3A_992 {offsets = [0, 512], sizes = [64, 512], strides = [1, 1]} : vector<64x1024xf32> to vector<64x512xf32>
    %swap3A_1003 = arith.constant 1 : index
    %swap3A_1004 = arith.constant 1 : index
    %swap3A_1005 = arith.constant 1 : index
    %swap3A_1006 = arith.constant 0 : index
    %swap3A_1007 = arith.constant 0 : index
    %swap3A_1008 = vector.load %arg5[%swap3A_1003, %swap3A_1004, %swap3A_1005, %swap3A_1006, %swap3A_1007] : memref<2x2x16x64x512xf32, #tpu.memory_space<vmem>>, vector<1x1x1x64x512xf32>
    %swap3A_1009 = vector.shape_cast %swap3A_1008 : vector<1x1x1x64x512xf32> to vector<64x512xf32>
    %swap3A_1010 = vector.shape_cast %slice3A_1002 : vector<64x512xf32> to vector<1x1x1x64x512xf32>
    tpu.vector_store %arg5[%swap3A_1003, %swap3A_1004, %swap3A_1005, %swap3A_1006, %swap3A_1007], %swap3A_1010 {strides = array<i32>} : memref<2x2x16x64x512xf32, #tpu.memory_space<vmem>>, vector<1x1x1x64x512xf32>,
    %slice3A_1011 = vector.extract_strided_slice %dot_general3A_669 {offsets = [1152, 0], sizes = [64, 1024], strides = [1, 1]} : vector<2048x1024xf32> to vector<64x1024xf32>
    %slice3A_1012 = vector.extract_strided_slice %slice3A_1011 {offsets = [0, 0], sizes = [64, 512], strides = [1, 1]} : vector<64x1024xf32> to vector<64x512xf32>
    %swap3A_1013 = arith.constant 0 : index
    %swap3A_1014 = arith.constant 1 : index
    %swap3A_1015 = arith.constant 2 : index
    %swap3A_1016 = arith.constant 0 : index
    %swap3A_1017 = arith.constant 0 : index
    %swap3A_1018 = vector.load %arg5[%swap3A_1013, %swap3A_1014, %swap3A_1015, %swap3A_1016, %swap3A_1017] : memref<2x2x16x64x512xf32, #tpu.memory_space<vmem>>, vector<1x1x1x64x512xf32>
    %swap3A_1019 = vector.shape_cast %swap3A_1018 : vector<1x1x1x64x512xf32> to vector<64x512xf32>
    %swap3A_1020 = vector.shape_cast %slice3A_1012 : vector<64x512xf32> to vector<1x1x1x64x512xf32>
    tpu.vector_store %arg5[%swap3A_1013, %swap3A_1014, %swap3A_1015, %swap3A_1016, %swap3A_1017], %swap3A_1020 {strides = array<i32>} : memref<2x2x16x64x512xf32, #tpu.memory_space<vmem>>, vector<1x1x1x64x512xf32>,
    %slice3A_1021 = vector.extract_strided_slice %slice3A_1011 {offsets = [0, 512], sizes = [64, 512], strides = [1, 1]} : vector<64x1024xf32> to vector<64x512xf32>
    %swap3A_1022 = arith.constant 1 : index
    %swap3A_1023 = arith.constant 1 : index
    %swap3A_1024 = arith.constant 2 : index
    %swap3A_1025 = arith.constant 0 : index
    %swap3A_1026 = arith.constant 0 : index
    %swap3A_1027 = vector.load %arg5[%swap3A_1022, %swap3A_1023, %swap3A_1024, %swap3A_1025, %swap3A_1026] : memref<2x2x16x64x512xf32, #tpu.memory_space<vmem>>, vector<1x1x1x64x512xf32>
    %swap3A_1028 = vector.shape_cast %swap3A_1027 : vector<1x1x1x64x512xf32> to vector<64x512xf32>
    %swap3A_1029 = vector.shape_cast %slice3A_1021 : vector<64x512xf32> to vector<1x1x1x64x512xf32>
    tpu.vector_store %arg5[%swap3A_1022, %swap3A_1023, %swap3A_1024, %swap3A_1025, %swap3A_1026], %swap3A_1029 {strides = array<i32>} : memref<2x2x16x64x512xf32, #tpu.memory_space<vmem>>, vector<1x1x1x64x512xf32>,
    %slice3A_1030 = vector.extract_strided_slice %dot_general3A_669 {offsets = [1216, 0], sizes = [64, 1024], strides = [1, 1]} : vector<2048x1024xf32> to vector<64x1024xf32>
    %slice3A_1031 = vector.extract_strided_slice %slice3A_1030 {offsets = [0, 0], sizes = [64, 512], strides = [1, 1]} : vector<64x1024xf32> to vector<64x512xf32>
    %swap3A_1032 = arith.constant 0 : index
    %swap3A_1033 = arith.constant 1 : index
    %swap3A_1034 = arith.constant 3 : index
    %swap3A_1035 = arith.constant 0 : index
    %swap3A_1036 = arith.constant 0 : index
    %swap3A_1037 = vector.load %arg5[%swap3A_1032, %swap3A_1033, %swap3A_1034, %swap3A_1035, %swap3A_1036] : memref<2x2x16x64x512xf32, #tpu.memory_space<vmem>>, vector<1x1x1x64x512xf32>
    %swap3A_1038 = vector.shape_cast %swap3A_1037 : vector<1x1x1x64x512xf32> to vector<64x512xf32>
    %swap3A_1039 = vector.shape_cast %slice3A_1031 : vector<64x512xf32> to vector<1x1x1x64x512xf32>
    tpu.vector_store %arg5[%swap3A_1032, %swap3A_1033, %swap3A_1034, %swap3A_1035, %swap3A_1036], %swap3A_1039 {strides = array<i32>} : memref<2x2x16x64x512xf32, #tpu.memory_space<vmem>>, vector<1x1x1x64x512xf32>,
    %slice3A_1040 = vector.extract_strided_slice %slice3A_1030 {offsets = [0, 512], sizes = [64, 512], strides = [1, 1]} : vector<64x1024xf32> to vector<64x512xf32>
    %swap3A_1041 = arith.constant 1 : index
    %swap3A_1042 = arith.constant 1 : index
    %swap3A_1043 = arith.constant 3 : index
    %swap3A_1044 = arith.constant 0 : index
    %swap3A_1045 = arith.constant 0 : index
    %swap3A_1046 = vector.load %arg5[%swap3A_1041, %swap3A_1042, %swap3A_1043, %swap3A_1044, %swap3A_1045] : memref<2x2x16x64x512xf32, #tpu.memory_space<vmem>>, vector<1x1x1x64x512xf32>
    %swap3A_1047 = vector.shape_cast %swap3A_1046 : vector<1x1x1x64x512xf32> to vector<64x512xf32>
    %swap3A_1048 = vector.shape_cast %slice3A_1040 : vector<64x512xf32> to vector<1x1x1x64x512xf32>
    tpu.vector_store %arg5[%swap3A_1041, %swap3A_1042, %swap3A_1043, %swap3A_1044, %swap3A_1045], %swap3A_1048 {strides = array<i32>} : memref<2x2x16x64x512xf32, #tpu.memory_space<vmem>>, vector<1x1x1x64x512xf32>,
    %slice3A_1049 = vector.extract_strided_slice %dot_general3A_669 {offsets = [1280, 0], sizes = [64, 1024], strides = [1, 1]} : vector<2048x1024xf32> to vector<64x1024xf32>
    %slice3A_1050 = vector.extract_strided_slice %slice3A_1049 {offsets = [0, 0], sizes = [64, 512], strides = [1, 1]} : vector<64x1024xf32> to vector<64x512xf32>
    %swap3A_1051 = arith.constant 0 : index
    %swap3A_1052 = arith.constant 1 : index
    %swap3A_1053 = arith.constant 4 : index
    %swap3A_1054 = arith.constant 0 : index
    %swap3A_1055 = arith.constant 0 : index
    %swap3A_1056 = vector.load %arg5[%swap3A_1051, %swap3A_1052, %swap3A_1053, %swap3A_1054, %swap3A_1055] : memref<2x2x16x64x512xf32, #tpu.memory_space<vmem>>, vector<1x1x1x64x512xf32>
    %swap3A_1057 = vector.shape_cast %swap3A_1056 : vector<1x1x1x64x512xf32> to vector<64x512xf32>
    %swap3A_1058 = vector.shape_cast %slice3A_1050 : vector<64x512xf32> to vector<1x1x1x64x512xf32>
    tpu.vector_store %arg5[%swap3A_1051, %swap3A_1052, %swap3A_1053, %swap3A_1054, %swap3A_1055], %swap3A_1058 {strides = array<i32>} : memref<2x2x16x64x512xf32, #tpu.memory_space<vmem>>, vector<1x1x1x64x512xf32>,
    %slice3A_1059 = vector.extract_strided_slice %slice3A_1049 {offsets = [0, 512], sizes = [64, 512], strides = [1, 1]} : vector<64x1024xf32> to vector<64x512xf32>
    %swap3A_1060 = arith.constant 1 : index
    %swap3A_1061 = arith.constant 1 : index
    %swap3A_1062 = arith.constant 4 : index
    %swap3A_1063 = arith.constant 0 : index
    %swap3A_1064 = arith.constant 0 : index
    %swap3A_1065 = vector.load %arg5[%swap3A_1060, %swap3A_1061, %swap3A_1062, %swap3A_1063, %swap3A_1064] : memref<2x2x16x64x512xf32, #tpu.memory_space<vmem>>, vector<1x1x1x64x512xf32>
    %swap3A_1066 = vector.shape_cast %swap3A_1065 : vector<1x1x1x64x512xf32> to vector<64x512xf32>
    %swap3A_1067 = vector.shape_cast %slice3A_1059 : vector<64x512xf32> to vector<1x1x1x64x512xf32>
    tpu.vector_store %arg5[%swap3A_1060, %swap3A_1061, %swap3A_1062, %swap3A_1063, %swap3A_1064], %swap3A_1067 {strides = array<i32>} : memref<2x2x16x64x512xf32, #tpu.memory_space<vmem>>, vector<1x1x1x64x512xf32>,
    %slice3A_1068 = vector.extract_strided_slice %dot_general3A_669 {offsets = [1344, 0], sizes = [64, 1024], strides = [1, 1]} : vector<2048x1024xf32> to vector<64x1024xf32>
    %slice3A_1069 = vector.extract_strided_slice %slice3A_1068 {offsets = [0, 0], sizes = [64, 512], strides = [1, 1]} : vector<64x1024xf32> to vector<64x512xf32>
    %swap3A_1070 = arith.constant 0 : index
    %swap3A_1071 = arith.constant 1 : index
    %swap3A_1072 = arith.constant 5 : index
    %swap3A_1073 = arith.constant 0 : index
    %swap3A_1074 = arith.constant 0 : index
    %swap3A_1075 = vector.load %arg5[%swap3A_1070, %swap3A_1071, %swap3A_1072, %swap3A_1073, %swap3A_1074] : memref<2x2x16x64x512xf32, #tpu.memory_space<vmem>>, vector<1x1x1x64x512xf32>
    %swap3A_1076 = vector.shape_cast %swap3A_1075 : vector<1x1x1x64x512xf32> to vector<64x512xf32>
    %swap3A_1077 = vector.shape_cast %slice3A_1069 : vector<64x512xf32> to vector<1x1x1x64x512xf32>
    tpu.vector_store %arg5[%swap3A_1070, %swap3A_1071, %swap3A_1072, %swap3A_1073, %swap3A_1074], %swap3A_1077 {strides = array<i32>} : memref<2x2x16x64x512xf32, #tpu.memory_space<vmem>>, vector<1x1x1x64x512xf32>,
    %slice3A_1078 = vector.extract_strided_slice %slice3A_1068 {offsets = [0, 512], sizes = [64, 512], strides = [1, 1]} : vector<64x1024xf32> to vector<64x512xf32>
    %swap3A_1079 = arith.constant 1 : index
    %swap3A_1080 = arith.constant 1 : index
    %swap3A_1081 = arith.constant 5 : index
    %swap3A_1082 = arith.constant 0 : index
    %swap3A_1083 = arith.constant 0 : index
    %swap3A_1084 = vector.load %arg5[%swap3A_1079, %swap3A_1080, %swap3A_1081, %swap3A_1082, %swap3A_1083] : memref<2x2x16x64x512xf32, #tpu.memory_space<vmem>>, vector<1x1x1x64x512xf32>
    %swap3A_1085 = vector.shape_cast %swap3A_1084 : vector<1x1x1x64x512xf32> to vector<64x512xf32>
    %swap3A_1086 = vector.shape_cast %slice3A_1078 : vector<64x512xf32> to vector<1x1x1x64x512xf32>
    tpu.vector_store %arg5[%swap3A_1079, %swap3A_1080, %swap3A_1081, %swap3A_1082, %swap3A_1083], %swap3A_1086 {strides = array<i32>} : memref<2x2x16x64x512xf32, #tpu.memory_space<vmem>>, vector<1x1x1x64x512xf32>,
    %slice3A_1087 = vector.extract_strided_slice %dot_general3A_669 {offsets = [1408, 0], sizes = [64, 1024], strides = [1, 1]} : vector<2048x1024xf32> to vector<64x1024xf32>
    %slice3A_1088 = vector.extract_strided_slice %slice3A_1087 {offsets = [0, 0], sizes = [64, 512], strides = [1, 1]} : vector<64x1024xf32> to vector<64x512xf32>
    %swap3A_1089 = arith.constant 0 : index
    %swap3A_1090 = arith.constant 1 : index
    %swap3A_1091 = arith.constant 6 : index
    %swap3A_1092 = arith.constant 0 : index
    %swap3A_1093 = arith.constant 0 : index
    %swap3A_1094 = vector.load %arg5[%swap3A_1089, %swap3A_1090, %swap3A_1091, %swap3A_1092, %swap3A_1093] : memref<2x2x16x64x512xf32, #tpu.memory_space<vmem>>, vector<1x1x1x64x512xf32>
    %swap3A_1095 = vector.shape_cast %swap3A_1094 : vector<1x1x1x64x512xf32> to vector<64x512xf32>
    %swap3A_1096 = vector.shape_cast %slice3A_1088 : vector<64x512xf32> to vector<1x1x1x64x512xf32>
    tpu.vector_store %arg5[%swap3A_1089, %swap3A_1090, %swap3A_1091, %swap3A_1092, %swap3A_1093], %swap3A_1096 {strides = array<i32>} : memref<2x2x16x64x512xf32, #tpu.memory_space<vmem>>, vector<1x1x1x64x512xf32>,
    %slice3A_1097 = vector.extract_strided_slice %slice3A_1087 {offsets = [0, 512], sizes = [64, 512], strides = [1, 1]} : vector<64x1024xf32> to vector<64x512xf32>
    %swap3A_1098 = arith.constant 1 : index
    %swap3A_1099 = arith.constant 1 : index
    %swap3A_1100 = arith.constant 6 : index
    %swap3A_1101 = arith.constant 0 : index
    %swap3A_1102 = arith.constant 0 : index
    %swap3A_1103 = vector.load %arg5[%swap3A_1098, %swap3A_1099, %swap3A_1100, %swap3A_1101, %swap3A_1102] : memref<2x2x16x64x512xf32, #tpu.memory_space<vmem>>, vector<1x1x1x64x512xf32>
    %swap3A_1104 = vector.shape_cast %swap3A_1103 : vector<1x1x1x64x512xf32> to vector<64x512xf32>
    %swap3A_1105 = vector.shape_cast %slice3A_1097 : vector<64x512xf32> to vector<1x1x1x64x512xf32>
    tpu.vector_store %arg5[%swap3A_1098, %swap3A_1099, %swap3A_1100, %swap3A_1101, %swap3A_1102], %swap3A_1105 {strides = array<i32>} : memref<2x2x16x64x512xf32, #tpu.memory_space<vmem>>, vector<1x1x1x64x512xf32>,
    %slice3A_1106 = vector.extract_strided_slice %dot_general3A_669 {offsets = [1472, 0], sizes = [64, 1024], strides = [1, 1]} : vector<2048x1024xf32> to vector<64x1024xf32>
    %slice3A_1107 = vector.extract_strided_slice %slice3A_1106 {offsets = [0, 0], sizes = [64, 512], strides = [1, 1]} : vector<64x1024xf32> to vector<64x512xf32>
    %swap3A_1108 = arith.constant 0 : index
    %swap3A_1109 = arith.constant 1 : index
    %swap3A_1110 = arith.constant 7 : index
    %swap3A_1111 = arith.constant 0 : index
    %swap3A_1112 = arith.constant 0 : index
    %swap3A_1113 = vector.load %arg5[%swap3A_1108, %swap3A_1109, %swap3A_1110, %swap3A_1111, %swap3A_1112] : memref<2x2x16x64x512xf32, #tpu.memory_space<vmem>>, vector<1x1x1x64x512xf32>
    %swap3A_1114 = vector.shape_cast %swap3A_1113 : vector<1x1x1x64x512xf32> to vector<64x512xf32>
    %swap3A_1115 = vector.shape_cast %slice3A_1107 : vector<64x512xf32> to vector<1x1x1x64x512xf32>
    tpu.vector_store %arg5[%swap3A_1108, %swap3A_1109, %swap3A_1110, %swap3A_1111, %swap3A_1112], %swap3A_1115 {strides = array<i32>} : memref<2x2x16x64x512xf32, #tpu.memory_space<vmem>>, vector<1x1x1x64x512xf32>,
    %slice3A_1116 = vector.extract_strided_slice %slice3A_1106 {offsets = [0, 512], sizes = [64, 512], strides = [1, 1]} : vector<64x1024xf32> to vector<64x512xf32>
    %swap3A_1117 = arith.constant 1 : index
    %swap3A_1118 = arith.constant 1 : index
    %swap3A_1119 = arith.constant 7 : index
    %swap3A_1120 = arith.constant 0 : index
    %swap3A_1121 = arith.constant 0 : index
    %swap3A_1122 = vector.load %arg5[%swap3A_1117, %swap3A_1118, %swap3A_1119, %swap3A_1120, %swap3A_1121] : memref<2x2x16x64x512xf32, #tpu.memory_space<vmem>>, vector<1x1x1x64x512xf32>
    %swap3A_1123 = vector.shape_cast %swap3A_1122 : vector<1x1x1x64x512xf32> to vector<64x512xf32>
    %swap3A_1124 = vector.shape_cast %slice3A_1116 : vector<64x512xf32> to vector<1x1x1x64x512xf32>
    tpu.vector_store %arg5[%swap3A_1117, %swap3A_1118, %swap3A_1119, %swap3A_1120, %swap3A_1121], %swap3A_1124 {strides = array<i32>} : memref<2x2x16x64x512xf32, #tpu.memory_space<vmem>>, vector<1x1x1x64x512xf32>,
    %slice3A_1125 = vector.extract_strided_slice %dot_general3A_669 {offsets = [1536, 0], sizes = [64, 1024], strides = [1, 1]} : vector<2048x1024xf32> to vector<64x1024xf32>
    %slice3A_1126 = vector.extract_strided_slice %slice3A_1125 {offsets = [0, 0], sizes = [64, 512], strides = [1, 1]} : vector<64x1024xf32> to vector<64x512xf32>
    %swap3A_1127 = arith.constant 0 : index
    %swap3A_1128 = arith.constant 1 : index
    %swap3A_1129 = arith.constant 8 : index
    %swap3A_1130 = arith.constant 0 : index
    %swap3A_1131 = arith.constant 0 : index
    %swap3A_1132 = vector.load %arg5[%swap3A_1127, %swap3A_1128, %swap3A_1129, %swap3A_1130, %swap3A_1131] : memref<2x2x16x64x512xf32, #tpu.memory_space<vmem>>, vector<1x1x1x64x512xf32>
    %swap3A_1133 = vector.shape_cast %swap3A_1132 : vector<1x1x1x64x512xf32> to vector<64x512xf32>
    %swap3A_1134 = vector.shape_cast %slice3A_1126 : vector<64x512xf32> to vector<1x1x1x64x512xf32>
    tpu.vector_store %arg5[%swap3A_1127, %swap3A_1128, %swap3A_1129, %swap3A_1130, %swap3A_1131], %swap3A_1134 {strides = array<i32>} : memref<2x2x16x64x512xf32, #tpu.memory_space<vmem>>, vector<1x1x1x64x512xf32>,
    %slice3A_1135 = vector.extract_strided_slice %slice3A_1125 {offsets = [0, 512], sizes = [64, 512], strides = [1, 1]} : vector<64x1024xf32> to vector<64x512xf32>
    %swap3A_1136 = arith.constant 1 : index
    %swap3A_1137 = arith.constant 1 : index
    %swap3A_1138 = arith.constant 8 : index
    %swap3A_1139 = arith.constant 0 : index
    %swap3A_1140 = arith.constant 0 : index
    %swap3A_1141 = vector.load %arg5[%swap3A_1136, %swap3A_1137, %swap3A_1138, %swap3A_1139, %swap3A_1140] : memref<2x2x16x64x512xf32, #tpu.memory_space<vmem>>, vector<1x1x1x64x512xf32>
    %swap3A_1142 = vector.shape_cast %swap3A_1141 : vector<1x1x1x64x512xf32> to vector<64x512xf32>
    %swap3A_1143 = vector.shape_cast %slice3A_1135 : vector<64x512xf32> to vector<1x1x1x64x512xf32>
    tpu.vector_store %arg5[%swap3A_1136, %swap3A_1137, %swap3A_1138, %swap3A_1139, %swap3A_1140], %swap3A_1143 {strides = array<i32>} : memref<2x2x16x64x512xf32, #tpu.memory_space<vmem>>, vector<1x1x1x64x512xf32>,
    %slice3A_1144 = vector.extract_strided_slice %dot_general3A_669 {offsets = [1600, 0], sizes = [64, 1024], strides = [1, 1]} : vector<2048x1024xf32> to vector<64x1024xf32>
    %slice3A_1145 = vector.extract_strided_slice %slice3A_1144 {offsets = [0, 0], sizes = [64, 512], strides = [1, 1]} : vector<64x1024xf32> to vector<64x512xf32>
    %swap3A_1146 = arith.constant 0 : index
    %swap3A_1147 = arith.constant 1 : index
    %swap3A_1148 = arith.constant 9 : index
    %swap3A_1149 = arith.constant 0 : index
    %swap3A_1150 = arith.constant 0 : index
    %swap3A_1151 = vector.load %arg5[%swap3A_1146, %swap3A_1147, %swap3A_1148, %swap3A_1149, %swap3A_1150] : memref<2x2x16x64x512xf32, #tpu.memory_space<vmem>>, vector<1x1x1x64x512xf32>
    %swap3A_1152 = vector.shape_cast %swap3A_1151 : vector<1x1x1x64x512xf32> to vector<64x512xf32>
    %swap3A_1153 = vector.shape_cast %slice3A_1145 : vector<64x512xf32> to vector<1x1x1x64x512xf32>
    tpu.vector_store %arg5[%swap3A_1146, %swap3A_1147, %swap3A_1148, %swap3A_1149, %swap3A_1150], %swap3A_1153 {strides = array<i32>} : memref<2x2x16x64x512xf32, #tpu.memory_space<vmem>>, vector<1x1x1x64x512xf32>,
    %slice3A_1154 = vector.extract_strided_slice %slice3A_1144 {offsets = [0, 512], sizes = [64, 512], strides = [1, 1]} : vector<64x1024xf32> to vector<64x512xf32>
    %swap3A_1155 = arith.constant 1 : index
    %swap3A_1156 = arith.constant 1 : index
    %swap3A_1157 = arith.constant 9 : index
    %swap3A_1158 = arith.constant 0 : index
    %swap3A_1159 = arith.constant 0 : index
    %swap3A_1160 = vector.load %arg5[%swap3A_1155, %swap3A_1156, %swap3A_1157, %swap3A_1158, %swap3A_1159] : memref<2x2x16x64x512xf32, #tpu.memory_space<vmem>>, vector<1x1x1x64x512xf32>
    %swap3A_1161 = vector.shape_cast %swap3A_1160 : vector<1x1x1x64x512xf32> to vector<64x512xf32>
    %swap3A_1162 = vector.shape_cast %slice3A_1154 : vector<64x512xf32> to vector<1x1x1x64x512xf32>
    tpu.vector_store %arg5[%swap3A_1155, %swap3A_1156, %swap3A_1157, %swap3A_1158, %swap3A_1159], %swap3A_1162 {strides = array<i32>} : memref<2x2x16x64x512xf32, #tpu.memory_space<vmem>>, vector<1x1x1x64x512xf32>,
    %slice3A_1163 = vector.extract_strided_slice %dot_general3A_669 {offsets = [1664, 0], sizes = [64, 1024], strides = [1, 1]} : vector<2048x1024xf32> to vector<64x1024xf32>
    %slice3A_1164 = vector.extract_strided_slice %slice3A_1163 {offsets = [0, 0], sizes = [64, 512], strides = [1, 1]} : vector<64x1024xf32> to vector<64x512xf32>
    %swap3A_1165 = arith.constant 0 : index
    %swap3A_1166 = arith.constant 1 : index
    %swap3A_1167 = arith.constant 10 : index
    %swap3A_1168 = arith.constant 0 : index
    %swap3A_1169 = arith.constant 0 : index
    %swap3A_1170 = vector.load %arg5[%swap3A_1165, %swap3A_1166, %swap3A_1167, %swap3A_1168, %swap3A_1169] : memref<2x2x16x64x512xf32, #tpu.memory_space<vmem>>, vector<1x1x1x64x512xf32>
    %swap3A_1171 = vector.shape_cast %swap3A_1170 : vector<1x1x1x64x512xf32> to vector<64x512xf32>
    %swap3A_1172 = vector.shape_cast %slice3A_1164 : vector<64x512xf32> to vector<1x1x1x64x512xf32>
    tpu.vector_store %arg5[%swap3A_1165, %swap3A_1166, %swap3A_1167, %swap3A_1168, %swap3A_1169], %swap3A_1172 {strides = array<i32>} : memref<2x2x16x64x512xf32, #tpu.memory_space<vmem>>, vector<1x1x1x64x512xf32>,
    %slice3A_1173 = vector.extract_strided_slice %slice3A_1163 {offsets = [0, 512], sizes = [64, 512], strides = [1, 1]} : vector<64x1024xf32> to vector<64x512xf32>
    %swap3A_1174 = arith.constant 1 : index
    %swap3A_1175 = arith.constant 1 : index
    %swap3A_1176 = arith.constant 10 : index
    %swap3A_1177 = arith.constant 0 : index
    %swap3A_1178 = arith.constant 0 : index
    %swap3A_1179 = vector.load %arg5[%swap3A_1174, %swap3A_1175, %swap3A_1176, %swap3A_1177, %swap3A_1178] : memref<2x2x16x64x512xf32, #tpu.memory_space<vmem>>, vector<1x1x1x64x512xf32>
    %swap3A_1180 = vector.shape_cast %swap3A_1179 : vector<1x1x1x64x512xf32> to vector<64x512xf32>
    %swap3A_1181 = vector.shape_cast %slice3A_1173 : vector<64x512xf32> to vector<1x1x1x64x512xf32>
    tpu.vector_store %arg5[%swap3A_1174, %swap3A_1175, %swap3A_1176, %swap3A_1177, %swap3A_1178], %swap3A_1181 {strides = array<i32>} : memref<2x2x16x64x512xf32, #tpu.memory_space<vmem>>, vector<1x1x1x64x512xf32>,
    %slice3A_1182 = vector.extract_strided_slice %dot_general3A_669 {offsets = [1728, 0], sizes = [64, 1024], strides = [1, 1]} : vector<2048x1024xf32> to vector<64x1024xf32>
    %slice3A_1183 = vector.extract_strided_slice %slice3A_1182 {offsets = [0, 0], sizes = [64, 512], strides = [1, 1]} : vector<64x1024xf32> to vector<64x512xf32>
    %swap3A_1184 = arith.constant 0 : index
    %swap3A_1185 = arith.constant 1 : index
    %swap3A_1186 = arith.constant 11 : index
    %swap3A_1187 = arith.constant 0 : index
    %swap3A_1188 = arith.constant 0 : index
    %swap3A_1189 = vector.load %arg5[%swap3A_1184, %swap3A_1185, %swap3A_1186, %swap3A_1187, %swap3A_1188] : memref<2x2x16x64x512xf32, #tpu.memory_space<vmem>>, vector<1x1x1x64x512xf32>
    %swap3A_1190 = vector.shape_cast %swap3A_1189 : vector<1x1x1x64x512xf32> to vector<64x512xf32>
    %swap3A_1191 = vector.shape_cast %slice3A_1183 : vector<64x512xf32> to vector<1x1x1x64x512xf32>
    tpu.vector_store %arg5[%swap3A_1184, %swap3A_1185, %swap3A_1186, %swap3A_1187, %swap3A_1188], %swap3A_1191 {strides = array<i32>} : memref<2x2x16x64x512xf32, #tpu.memory_space<vmem>>, vector<1x1x1x64x512xf32>,
    %slice3A_1192 = vector.extract_strided_slice %slice3A_1182 {offsets = [0, 512], sizes = [64, 512], strides = [1, 1]} : vector<64x1024xf32> to vector<64x512xf32>
    %swap3A_1193 = arith.constant 1 : index
    %swap3A_1194 = arith.constant 1 : index
    %swap3A_1195 = arith.constant 11 : index
    %swap3A_1196 = arith.constant 0 : index
    %swap3A_1197 = arith.constant 0 : index
    %swap3A_1198 = vector.load %arg5[%swap3A_1193, %swap3A_1194, %swap3A_1195, %swap3A_1196, %swap3A_1197] : memref<2x2x16x64x512xf32, #tpu.memory_space<vmem>>, vector<1x1x1x64x512xf32>
    %swap3A_1199 = vector.shape_cast %swap3A_1198 : vector<1x1x1x64x512xf32> to vector<64x512xf32>
    %swap3A_1200 = vector.shape_cast %slice3A_1192 : vector<64x512xf32> to vector<1x1x1x64x512xf32>
    tpu.vector_store %arg5[%swap3A_1193, %swap3A_1194, %swap3A_1195, %swap3A_1196, %swap3A_1197], %swap3A_1200 {strides = array<i32>} : memref<2x2x16x64x512xf32, #tpu.memory_space<vmem>>, vector<1x1x1x64x512xf32>,
    %slice3A_1201 = vector.extract_strided_slice %dot_general3A_669 {offsets = [1792, 0], sizes = [64, 1024], strides = [1, 1]} : vector<2048x1024xf32> to vector<64x1024xf32>
    %slice3A_1202 = vector.extract_strided_slice %slice3A_1201 {offsets = [0, 0], sizes = [64, 512], strides = [1, 1]} : vector<64x1024xf32> to vector<64x512xf32>
    %swap3A_1203 = arith.constant 0 : index
    %swap3A_1204 = arith.constant 1 : index
    %swap3A_1205 = arith.constant 12 : index
    %swap3A_1206 = arith.constant 0 : index
    %swap3A_1207 = arith.constant 0 : index
    %swap3A_1208 = vector.load %arg5[%swap3A_1203, %swap3A_1204, %swap3A_1205, %swap3A_1206, %swap3A_1207] : memref<2x2x16x64x512xf32, #tpu.memory_space<vmem>>, vector<1x1x1x64x512xf32>
    %swap3A_1209 = vector.shape_cast %swap3A_1208 : vector<1x1x1x64x512xf32> to vector<64x512xf32>
    %swap3A_1210 = vector.shape_cast %slice3A_1202 : vector<64x512xf32> to vector<1x1x1x64x512xf32>
    tpu.vector_store %arg5[%swap3A_1203, %swap3A_1204, %swap3A_1205, %swap3A_1206, %swap3A_1207], %swap3A_1210 {strides = array<i32>} : memref<2x2x16x64x512xf32, #tpu.memory_space<vmem>>, vector<1x1x1x64x512xf32>,
    %slice3A_1211 = vector.extract_strided_slice %slice3A_1201 {offsets = [0, 512], sizes = [64, 512], strides = [1, 1]} : vector<64x1024xf32> to vector<64x512xf32>
    %swap3A_1212 = arith.constant 1 : index
    %swap3A_1213 = arith.constant 1 : index
    %swap3A_1214 = arith.constant 12 : index
    %swap3A_1215 = arith.constant 0 : index
    %swap3A_1216 = arith.constant 0 : index
    %swap3A_1217 = vector.load %arg5[%swap3A_1212, %swap3A_1213, %swap3A_1214, %swap3A_1215, %swap3A_1216] : memref<2x2x16x64x512xf32, #tpu.memory_space<vmem>>, vector<1x1x1x64x512xf32>
    %swap3A_1218 = vector.shape_cast %swap3A_1217 : vector<1x1x1x64x512xf32> to vector<64x512xf32>
    %swap3A_1219 = vector.shape_cast %slice3A_1211 : vector<64x512xf32> to vector<1x1x1x64x512xf32>
    tpu.vector_store %arg5[%swap3A_1212, %swap3A_1213, %swap3A_1214, %swap3A_1215, %swap3A_1216], %swap3A_1219 {strides = array<i32>} : memref<2x2x16x64x512xf32, #tpu.memory_space<vmem>>, vector<1x1x1x64x512xf32>,
    %slice3A_1220 = vector.extract_strided_slice %dot_general3A_669 {offsets = [1856, 0], sizes = [64, 1024], strides = [1, 1]} : vector<2048x1024xf32> to vector<64x1024xf32>
    %slice3A_1221 = vector.extract_strided_slice %slice3A_1220 {offsets = [0, 0], sizes = [64, 512], strides = [1, 1]} : vector<64x1024xf32> to vector<64x512xf32>
    %swap3A_1222 = arith.constant 0 : index
    %swap3A_1223 = arith.constant 1 : index
    %swap3A_1224 = arith.constant 13 : index
    %swap3A_1225 = arith.constant 0 : index
    %swap3A_1226 = arith.constant 0 : index
    %swap3A_1227 = vector.load %arg5[%swap3A_1222, %swap3A_1223, %swap3A_1224, %swap3A_1225, %swap3A_1226] : memref<2x2x16x64x512xf32, #tpu.memory_space<vmem>>, vector<1x1x1x64x512xf32>
    %swap3A_1228 = vector.shape_cast %swap3A_1227 : vector<1x1x1x64x512xf32> to vector<64x512xf32>
    %swap3A_1229 = vector.shape_cast %slice3A_1221 : vector<64x512xf32> to vector<1x1x1x64x512xf32>
    tpu.vector_store %arg5[%swap3A_1222, %swap3A_1223, %swap3A_1224, %swap3A_1225, %swap3A_1226], %swap3A_1229 {strides = array<i32>} : memref<2x2x16x64x512xf32, #tpu.memory_space<vmem>>, vector<1x1x1x64x512xf32>,
    %slice3A_1230 = vector.extract_strided_slice %slice3A_1220 {offsets = [0, 512], sizes = [64, 512], strides = [1, 1]} : vector<64x1024xf32> to vector<64x512xf32>
    %swap3A_1231 = arith.constant 1 : index
    %swap3A_1232 = arith.constant 1 : index
    %swap3A_1233 = arith.constant 13 : index
    %swap3A_1234 = arith.constant 0 : index
    %swap3A_1235 = arith.constant 0 : index
    %swap3A_1236 = vector.load %arg5[%swap3A_1231, %swap3A_1232, %swap3A_1233, %swap3A_1234, %swap3A_1235] : memref<2x2x16x64x512xf32, #tpu.memory_space<vmem>>, vector<1x1x1x64x512xf32>
    %swap3A_1237 = vector.shape_cast %swap3A_1236 : vector<1x1x1x64x512xf32> to vector<64x512xf32>
    %swap3A_1238 = vector.shape_cast %slice3A_1230 : vector<64x512xf32> to vector<1x1x1x64x512xf32>
    tpu.vector_store %arg5[%swap3A_1231, %swap3A_1232, %swap3A_1233, %swap3A_1234, %swap3A_1235], %swap3A_1238 {strides = array<i32>} : memref<2x2x16x64x512xf32, #tpu.memory_space<vmem>>, vector<1x1x1x64x512xf32>,
    %slice3A_1239 = vector.extract_strided_slice %dot_general3A_669 {offsets = [1920, 0], sizes = [64, 1024], strides = [1, 1]} : vector<2048x1024xf32> to vector<64x1024xf32>
    %slice3A_1240 = vector.extract_strided_slice %slice3A_1239 {offsets = [0, 0], sizes = [64, 512], strides = [1, 1]} : vector<64x1024xf32> to vector<64x512xf32>
    %swap3A_1241 = arith.constant 0 : index
    %swap3A_1242 = arith.constant 1 : index
    %swap3A_1243 = arith.constant 14 : index
    %swap3A_1244 = arith.constant 0 : index
    %swap3A_1245 = arith.constant 0 : index
    %swap3A_1246 = vector.load %arg5[%swap3A_1241, %swap3A_1242, %swap3A_1243, %swap3A_1244, %swap3A_1245] : memref<2x2x16x64x512xf32, #tpu.memory_space<vmem>>, vector<1x1x1x64x512xf32>
    %swap3A_1247 = vector.shape_cast %swap3A_1246 : vector<1x1x1x64x512xf32> to vector<64x512xf32>
    %swap3A_1248 = vector.shape_cast %slice3A_1240 : vector<64x512xf32> to vector<1x1x1x64x512xf32>
    tpu.vector_store %arg5[%swap3A_1241, %swap3A_1242, %swap3A_1243, %swap3A_1244, %swap3A_1245], %swap3A_1248 {strides = array<i32>} : memref<2x2x16x64x512xf32, #tpu.memory_space<vmem>>, vector<1x1x1x64x512xf32>,
    %slice3A_1249 = vector.extract_strided_slice %slice3A_1239 {offsets = [0, 512], sizes = [64, 512], strides = [1, 1]} : vector<64x1024xf32> to vector<64x512xf32>
    %swap3A_1250 = arith.constant 1 : index
    %swap3A_1251 = arith.constant 1 : index
    %swap3A_1252 = arith.constant 14 : index
    %swap3A_1253 = arith.constant 0 : index
    %swap3A_1254 = arith.constant 0 : index
    %swap3A_1255 = vector.load %arg5[%swap3A_1250, %swap3A_1251, %swap3A_1252, %swap3A_1253, %swap3A_1254] : memref<2x2x16x64x512xf32, #tpu.memory_space<vmem>>, vector<1x1x1x64x512xf32>
    %swap3A_1256 = vector.shape_cast %swap3A_1255 : vector<1x1x1x64x512xf32> to vector<64x512xf32>
    %swap3A_1257 = vector.shape_cast %slice3A_1249 : vector<64x512xf32> to vector<1x1x1x64x512xf32>
    tpu.vector_store %arg5[%swap3A_1250, %swap3A_1251, %swap3A_1252, %swap3A_1253, %swap3A_1254], %swap3A_1257 {strides = array<i32>} : memref<2x2x16x64x512xf32, #tpu.memory_space<vmem>>, vector<1x1x1x64x512xf32>,
    %slice3A_1258 = vector.extract_strided_slice %dot_general3A_669 {offsets = [1984, 0], sizes = [64, 1024], strides = [1, 1]} : vector<2048x1024xf32> to vector<64x1024xf32>
    %slice3A_1259 = vector.extract_strided_slice %slice3A_1258 {offsets = [0, 0], sizes = [64, 512], strides = [1, 1]} : vector<64x1024xf32> to vector<64x512xf32>
    %swap3A_1260 = arith.constant 0 : index
    %swap3A_1261 = arith.constant 1 : index
    %swap3A_1262 = arith.constant 15 : index
    %swap3A_1263 = arith.constant 0 : index
    %swap3A_1264 = arith.constant 0 : index
    %swap3A_1265 = vector.load %arg5[%swap3A_1260, %swap3A_1261, %swap3A_1262, %swap3A_1263, %swap3A_1264] : memref<2x2x16x64x512xf32, #tpu.memory_space<vmem>>, vector<1x1x1x64x512xf32>
    %swap3A_1266 = vector.shape_cast %swap3A_1265 : vector<1x1x1x64x512xf32> to vector<64x512xf32>
    %swap3A_1267 = vector.shape_cast %slice3A_1259 : vector<64x512xf32> to vector<1x1x1x64x512xf32>
    tpu.vector_store %arg5[%swap3A_1260, %swap3A_1261, %swap3A_1262, %swap3A_1263, %swap3A_1264], %swap3A_1267 {strides = array<i32>} : memref<2x2x16x64x512xf32, #tpu.memory_space<vmem>>, vector<1x1x1x64x512xf32>,
    %slice3A_1268 = vector.extract_strided_slice %slice3A_1258 {offsets = [0, 512], sizes = [64, 512], strides = [1, 1]} : vector<64x1024xf32> to vector<64x512xf32>
    %swap3A_1269 = arith.constant 1 : index
    %swap3A_1270 = arith.constant 1 : index
    %swap3A_1271 = arith.constant 15 : index
    %swap3A_1272 = arith.constant 0 : index
    %swap3A_1273 = arith.constant 0 : index
    %swap3A_1274 = vector.load %arg5[%swap3A_1269, %swap3A_1270, %swap3A_1271, %swap3A_1272, %swap3A_1273] : memref<2x2x16x64x512xf32, #tpu.memory_space<vmem>>, vector<1x1x1x64x512xf32>
    %swap3A_1275 = vector.shape_cast %swap3A_1274 : vector<1x1x1x64x512xf32> to vector<64x512xf32>
    %swap3A_1276 = vector.shape_cast %slice3A_1268 : vector<64x512xf32> to vector<1x1x1x64x512xf32>
    tpu.vector_store %arg5[%swap3A_1269, %swap3A_1270, %swap3A_1271, %swap3A_1272, %swap3A_1273], %swap3A_1276 {strides = array<i32>} : memref<2x2x16x64x512xf32, #tpu.memory_space<vmem>>, vector<1x1x1x64x512xf32>,
    return
  }
  func.func @transform_0(%arg0: i32, %arg1: memref<512xi32, #tpu.memory_space<smem>>, %arg2: memref<512xi32, #tpu.memory_space<smem>>) -> (i32, i32, i32) {
    %c0_i32 = arith.constant 0 : i32
    %c0_i32_0 = arith.constant 0 : i32
    %c0_i32_1 = arith.constant 0 : i32
    return %arg0, %c0_i32, %c0_i32_0 : i32, i32, i32
  }
  func.func @transform_1(%arg0: i32, %arg1: memref<512xi32, #tpu.memory_space<smem>>, %arg2: memref<512xi32, #tpu.memory_space<smem>>) -> (i32, i32) {
    %c0_i32 = arith.constant 0 : i32
    %c0_i32_0 = arith.constant 0 : i32
    %c0_i32_1 = arith.constant 0 : i32
    return %c0_i32, %c0_i32_0 : i32, i32
  }
  func.func @transform_2(%arg0: i32, %arg1: memref<512xi32, #tpu.memory_space<smem>>, %arg2: memref<512xi32, #tpu.memory_space<smem>>) -> (i32, i32, i32, i32, i32) {
    %c0_i32 = arith.constant 0 : i32
    %c0_i32_0 = arith.constant 0 : i32
    %c0_i32_1 = arith.constant 0 : i32
    %c0_i32_2 = arith.constant 0 : i32
    %c0_i32_3 = arith.constant 0 : i32
    return %c0_i32, %arg0, %c0_i32_0, %c0_i32_1, %c0_i32_2 : i32, i32, i32, i32, i32
  }
}

</mosaic_0001>

<sc_bundles>
// kernel: sparse-core-data-format-call.cloned.1.call-start
scs
called_computation_lowered:
.L_overlay_start_0:
0x0: {  	s2 =	sld [smem:$0x3FD9]  }
0x1: {  	s3 =	sld [smem:$0x3FFE];
	_ =	sdelay $0x1  }
0x2: {  	s1 =	srdreg.scid  }
0x3: {  	s0 =	sand.u32 $0x1, s1  }
0x4: {  	s15 =	sshll.u32 s0, $0xA;
	s2 =	sadd.s32 s3, s2  }
0x5: {  	s2 =	sadd.s32 s2, s15  }
0x6: {  	[smem:$0x3FC7] =	sst s2  }
0x7: {  	_ = 	snop  }
0x8: {  	s2 =	sld [smem:$0x3FD0];
	_ =	sdelay $0x2  }
0x9: {  	s16 =	simm.s32 $0xA;
	s4 =	simm.s32 $0x10  }
0xa: {  	[smem:s4], [sflag:s16] =	dma.local [hbm:s2], $0x1  }
0xb: {  	_ =	swait.eq [sflag:s16], $0x1  }
0xc: {  	[sflag:s16] =	ssyncset.done $0x0  }
0xd: {  	[sflag:s16] =	ssyncadd.s32 $0xFFFFFFFF  }
0xe: {  	s17 =	sld [smem:$0x10];
	(tm) =	ssettm $0x1  }
0xf: {  	s18 =	sld [smem:$0x3FFB];
	_ =	sdelay $0x3  }
0x10: {  	_ =	strace s18  }
0x11: {  	s3 =	sld [smem:$0x3FFC];
	_ =	sdelay $0x3  }
0x12: {  	_ =	strace s3  }
0x13: {  	s3 =	sld [smem:$0x3FFD];
	_ =	sdelay $0x3  }
0x14: {  	_ =	strace s3  }
0x15: {  	_ =	strace $0x8FFFFFFF  }
0x16: {  	s19 =	sld [smem:$0x3FDB];
	_ =	sdelay $0x1  }
0x17: {  	s20 =	simm.s32 $_scs_section_size  }
0x18: {  	s5 =	simm.s32 $_size__tile_overlayer_lowered;
	s6 =	simm.s32 $_tile_overlayer_lowered  }
0x19: {  	s23 =	simm.s32 $0x1BFF;
	s22 =	sshll.u32 s6, $0x1;
	s3 =	sadd.s32 s20, s19  }
0x1a: {  	s7 =	simm.s32 $0x0;
	s21 =	sshll.u32 s5, $0x1;
	s5 =	sadd.s32 s22, s3  }
0x1b: {  	[timem:s7], [sflag:s23] =	dma.local [hbm:s5], s21  }
0x1c: {  	_ =	swait.ge [sflag:s23], s21  }
0x1d: {  	s4 =	ssub.s32 $0x0, s21;
	[sflag:s23] =	ssyncset.done $0x0  }
0x1e: {  	[sflag:s23] =	ssyncadd.s32 s4;
	_ =	sdelay $0x1  }
0x1f: {  	s24 =	simm.s32 $0x1B8B  }
0x20: {  	_ =	swait.ge [sflag:s24], $0x1  }
0x21: {  	[sflag:s24] =	ssyncset.done $0x0  }
0x22: {  	s26 =	simm.s32 $0x1B8E;
	s25 =	sld [smem:$0x3FFE];
	[sflag:s24] =	ssyncadd.s32 $0xFFFFFFFF  }
0x23: {  	s27 =	simm.s32 $execute0_lowered;
	[smem:$0x3FD2] =	sst s26  }
0x24: {  	s5 =	sshll.u32 s27, $0x1;
	_ =	strace $0x80000046;
	[dreg:$0x1] =	wrdreg $0xFFFFFFFF  }
0x25: {  	s28 =	simm.s32 $_size_execute0_lowered;
	s3 =	sadd.s32 s3, s5;
	[dreg:$0x0] =	wrdreg $0x0  }
0x26: {  	s5 =	sshll.u32 s28, $0x1;
	[dreg:$0x2] =	wrdreg s3  }
0x27: {  	[dreg:$0x3] =	wrdreg s5  }
0x28: {  	[dreg:$0x4] =	wrdreg $0xC0  }
0x29: {  	_ =	task [dreg:s7], $0x5FFFF  }
0x2a: {  	[dreg:$0x1] =	wrdreg $0xFFFFFFFF  }
0x2b: {  	[dreg:$0x0] =	wrdreg $0x60  }
0x2c: {  	[dreg:$0x2] =	wrdreg s25  }
0x2d: {  	[dreg:$0x3] =	wrdreg s17  }
0x2e: {  	[dreg:$0x4] =	wrdreg $0x9  }
0x2f: {  	_ =	task.clear_ibuf [dreg:s7], $0x5FFFF;
	_ =	strace $0x90000046  }
0x30: {  	s29 =	simm.s32 $0x9;
	_ =	strace $0x80000048  }
0x31: {  	_ =	swait.ge [sflag:s29], $0x1  }
0x32: {  	[sflag:s29] =	ssyncadd.s32 $0xFFFFFFFF  }
0x33: {  	_ =	strace $0x90000048  }
0x34: {  	_ =	sfence  }
0x35: {  	s30 =	sld [smem:$0x0];
	_ =	sdelay $0x2  }
0x36: {  	s31 =	sshll.u32 s1, $0xD;
	s1 =	sshrl.u32 s1, $0x2  }
0x37: {  	s3 =	sand.u32 $0x4000, s31;
	s1 =	sadd.s32 s1, s30  }
0x38: {  	s0 =	sor.u32 s3, s0;
	s1 =	sshll.u32 s1, $0x11  }
0x39: {  	s0 =	sor.u32 s1, s0  }
0x3a: {  	s0 =	sadd.s32 $0x8F2B, s0  }
0x3b: {  	[sflag:s0] =	ssyncadd.remote.s32 $0x1  }
0x3c: {  	_ =	sfence.sel $0xFFFF  }
0x3d: {  	[dreg:$0x0] =	wrdreg $0xFFFFFFFF;
	(pc) =	sbr.abs _section_cstart, $3  }
0x3e: {  	[dreg:$0x1] =	wrdreg $0xFFFFFFFF  }
0x3f: {  	_ =	task.clear_ibuf [dreg:s7], $0x2FFFF;
	_ =	strace $0x9FFFFFFF  }
0x40: {  	(tm) =	ssettm $0x7FFFFFFF  }
0x41: {  	_ =	shalt  }
tec
execute0_lowered:
.L_overlay_start_1:
0x0: {  	(tag) =	ssettag $0x1  }
0x1: {  	s4 =	rddreg [dreg:$0x0]  }
0x2: {  	s2 =	rddreg [dreg:$0x1]  }
0x3: {  	s0 =	stileid.u32;
	s1 =	rddreg [dreg:$0x2]  }
0x4: {  	s5 =	srdreg.scid;
	_ =	strace $0x80000047;
	s31 =	simm.s32 $0x2  }
0x5: {  	s16 =	simm.s32 $0x0;
	p0 =	por $0x0, $0x0;
	s17 =	simm.s32 $0x0  }
0x6: {  	s18 =	simm.s32 $0x0;
	s19 =	simm.s32 $0x0;
	s20 =	simm.s32 $0x0  }
0x7: {  	s10 =	simm.s32 $0x0;
	s11 =	simm.s32 $0x0;
	s3 =	sand.u32 $0x1, s0  }
0x8: {  	s12 =	simm.s32 $0x0;
	s15 =	simm.s32 $0x0;
	s6 =	ssub.s32 $0x2, s3  }
0x9: {  	s5 =	sshll.u32 s5, $0x4;
	s4 =	sadd.s32 $0xA00, s4;
	s7 =	sshll.u32 s6, $0x1  }
.Ltmp0:
0xa: {  	s5 =	sand.u32 $0x10, s5;
	s7 =	sand.u32 $0x2, s7;
	(pc) =	sbr.rel .LBB1_1-.Ltmp0, $4  }
0xb: {  	s8 =	sor.u32 s0, s5;
	s5 =	simm.s32 $0x1;
	s6 =	sadd.s32 s6, s7  }
0xc: {  	s14 =	smov.u32 s3;
	[sflag:s5] =	ssyncpa.u1 $0x0;
	s9 =	sshll.u32 s6, $0x5  }
0xd: {  	[sflag:s31] =	ssyncpa.u1 $0x0;
	s6 =	sshrl.u32 s8, $0x1;
	s7 =	sand.u32 $0xC0, s9  }
0xe: {  	s9 =	simm.s32 $0x400;
	s13 =	smov.u32 s6;
	s8 =	sor.u32 $0x1, s7  }
.LBB1_7:
0xf: {  	s21 =	sadd.s32 $0x80, s10  }
0x10: {  	s16 =	sadd.s32 $0x40, s11;
	s22 =	smov.u32 s11;
	p2 =	sgt.s32 s21, $0x1FF  }
0x11: {  	s22 =	smov.u32 @p2 s16  }
0x12: {  	s23 =	smov.u32 s12;
	s16 =	sadd.s32 $0x2, s12;
	p3 =	sgt.s32 s22, $0x3F  }
0x13: {  	s23 =	smov.u32 @p3 s16  }
0x14: {  	s24 =	smov.u32 s13;
	s16 =	sadd.s32 $0x10, s13;
	p4 =	sgt.s32 s23, $0xF  }
0x15: {  	p1 =	slt.u32 s15, $0x2;
	s25 =	smov.u32 s14;
	s24 =	smov.u32 @p4 s16  }
0x16: {  	s17 =	smov.u32 s11;
	s16 =	sadd.s32 $0x2, s14;
	p5 =	sgt.s32 s24, $0x1F  }
0x17: {  	s18 =	smov.u32 s12;
	s19 =	smov.u32 s13;
	s25 =	smov.u32 @p5 s16  }
0x18: {  	s20 =	smov.u32 s14;
	s21 =	simm.s32 @p2 $0x0;
	p2 =	sgt.s32 s25, $0x1  }
0x19: {  	s26 =	simm.s32 @!p1 $0x2;
	s25 =	smov.u32 @p2 s3;
	p2 =	sne.s32 s15, s8  }
.Ltmp1:
0x1a: {  	p0 =	por !p0, !p0;
	_ =	swait.ge @!p1 [sflag:s26], $0x4000;
	(pc) =	sbr.rel @!p2 .LBB1_8-.Ltmp1, $4  }
0x1b: {  	[sflag:s26] =	ssyncset.done @!p1 $0x0;
	s22 =	simm.s32 @p3 $0x0;
	s23 =	simm.s32 @p4 $0x0  }
0x1c: {  	[sflag:s26] =	ssyncadd.s32 @!p1 $0xFFFFC000;
	s11 =	smov.u32 s22;
	s12 =	smov.u32 s23  }
0x1d: {  	s24 =	smov.u32 @p5 s6;
	s16 =	smov.u32 s10;
	s10 =	smov.u32 s21  }
0x1e: {  	s13 =	smov.u32 s24;
	s15 =	sadd.s32 $0x1, s15;
	s14 =	smov.u32 s25  }
.LBB1_1:
0x1f: {  	p1 =	sge.u32 s15, s7  }
0x20: {  	s31 =	sadd.s32 $0xFFFFFFFF, s15;
	s21 =	sxor.u32 @!p1 $0xFFFFFFFF, s15;
	s22 =	sshll.u32 @!p1 s11, $0x9  }
0x21: {  	s23 =	sshll.u32 @!p1 s10, $0x3;
	s24 =	sshll.u32 @!p1 s11, $0x7;
	s25 =	sand.u32 @!p1 $0x78, s10  }
0x22: {  	s26 =	sshll.u32 @!p1 s12, $0xC;
	s22 =	sand.u32 @!p1 $0x7000, s22;
	s23 =	sand.u32 @!p1 $0x7C00, s23  }
0x23: {  	s21 =	sshll.u32 @!p1 s21, $0xE;
	s22 =	sadd.s32 @!p1 s22, s23;
	s23 =	sand.u32 @!p1 $0x200, s24  }
0x24: {  	s22 =	sor.u32 @!p1 s23, s22;
	s23 =	sand.u32 @!p1 $0x180, s24;
	s24 =	sshll.u32 @!p1 s14, $0x15  }
0x25: {  	s23 =	sor.u32 @!p1 s25, s23;
	s25 =	sshll.u32 @!p1 s13, $0x10;
	s24 =	sadd.s32 @!p1 s4, s24  }
0x26: {  	s21 =	sand.u32 @!p1 $0x4000, s21;
	s22 =	sshrl.u32 @!p1 s22, $0x3;
	s24 =	sadd.s32 @!p1 s25, s24  }
0x27: {  	s23 =	sshrl.u32 @!p1 s23, $0x3;
	s25 =	sand.u32 @!p1 $0x7, s10;
	s24 =	sadd.s32 @!p1 s26, s24  }
0x28: {  	s22 =	sand.u32 @!p1 $0xFC0, s22;
	s23 =	sadd.s32 @!p1 s23, s24;
	s24 =	sshll.u32 @!p1 s25, $0x12  }
0x29: {  	s22 =	sadd.s32 @!p1 s22, s23;
	s23 =	sor.u32 @!p1 $0x400, s24;
	s24 =	simm.s32 @!p1 $0x1000  }
0x2a: {  	[tilespmem:s21], [sflag:$0x1] =	stream.strided.gather @!p1 [hbm4b:s22+s23], $0x4000, s24, s23, $0x38;
	[tilespmem:$0x10000] =	vst v63  }
0x2b: {  	p1 =	sge.u32 s31, s7  }
.Ltmp2:
0x2c: {  	_ = 	snop;
	(pc) =	sbr.rel @p1 .LBB1_7-.Ltmp2, $1  }
0x2d: {  	_ =	sdelay $0x3  }
0x2e: {  	s21 =	simm.s32 $0x1;
	_ =	swait.ge [sflag:s5], $0x4000  }
0x2f: {  	s22 =	sshll.u32 s15, $0xE;
	s24 =	simm.s32 $0x0;
	s21 =	simm.s32 @!p0 $0x0  }
0x30: {  	p2 =	por $0x1, $0x1;
	[sflag:s5] =	ssyncset.done $0x0;
	s21 =	sshll.u32 s21, $0x10  }
0x31: {  	s22 =	sand.u32 $0x4000, s22;
	[sflag:s5] =	ssyncadd.s32 $0xFFFFC000;
	s23 =	sshrl.u32 s21, $0x2  }
0x32: {  	s21 =	sor.u32 $0x8000, s22;
	s22 =	sadd.s32 $0x70, s23;
	s23 =	sadd.s32 $0x8040, s23  }
.LBB1_3:
0x33: {  	s24 =	sshll.u32 s24, $0x2  }
0x34: {  	s25 =	sshra.s32 s24, $0x2  }
0x35: {  	s24 =	sadd.s32 s25, s22  }
0x36: {  	v1 =	vmov s24;
	_ =	sdelay $0x3  }
0x37: {  	s24 =	simm.s32 $0x0  }
0x38: {  	s25 =	sadd.s32 s25, s23;
	v7 =	vld.idx.msk [tilespmem:v1+s24+$0x0 ss:$0x1], $0xffff  }
0x39: {  	v0 =	vmov s25;
	v8 =	vld.idx.msk [tilespmem:v1+s24+$0xFFFFFF90 ss:$0x1], $0xffff  }
0x3a: {  	v6 =	vld.idx.msk [tilespmem:v1+s24+$0xFFFFFFA0 ss:$0x1], $0xffff  }
0x3b: {  	v5 =	vld.idx.msk [tilespmem:v1+s24+$0xFFFFFFB0 ss:$0x1], $0xffff  }
0x3c: {  	v4 =	vld.idx.msk [tilespmem:v1+s24+$0xFFFFFFC0 ss:$0x1], $0xffff  }
0x3d: {  	v2 =	vld.idx.msk [tilespmem:v1+s24+$0xFFFFFFD0 ss:$0x1], $0xffff  }
0x3e: {  	v3 =	vld.idx.msk [tilespmem:v1+s24+$0xFFFFFFE0 ss:$0x1], $0xffff;
	[tilespmem:v0+s24+$0x30 ss:$0x1] =	vst.idx.msk $0xffff, v7  }
0x3f: {  	p1 =	por p2, p2;
	s26 =	simm.s32 $0x400;
	s25 =	simm.s32 $0x80;
	[tilespmem:v0+s24+$0xFFFFFFC0 ss:$0x1] =	vst.idx.msk $0xffff, v8;
	v7 =	vld.idx.msk [tilespmem:v1+s24+$0xFFFFFFF0 ss:$0x1], $0xffff  }
.LBB1_4:
0x40: {  	p2 =	sne.s32 s26, $0x7E00;
	v8 =	vld.idx.msk [tilespmem:v1+s25+$0x0 ss:$0x1], $0xffff;
	[tilespmem:v0+s24+$0xFFFFFFD0 ss:$0x1] =	vst.idx.msk $0xffff, v6  }
0x41: {  	v9 =	vld.idx.msk [tilespmem:v1+s25+$0xFFFFFF90 ss:$0x1], $0xffff;
	[tilespmem:v0+s24+$0xFFFFFFE0 ss:$0x1] =	vst.idx.msk $0xffff, v5  }
0x42: {  	v6 =	vld.idx.msk [tilespmem:v1+s25+$0xFFFFFFA0 ss:$0x1], $0xffff;
	[tilespmem:v0+s24+$0xFFFFFFF0 ss:$0x1] =	vst.idx.msk $0xffff, v4  }
.Ltmp3:
0x43: {  	v5 =	vld.idx.msk [tilespmem:v1+s25+$0xFFFFFFB0 ss:$0x1], $0xffff;
	[tilespmem:v0+s24+$0x0 ss:$0x1] =	vst.idx.msk $0xffff, v2;
	(pc) =	sbr.rel @p2 .LBB1_4-.Ltmp3, $4  }
0x44: {  	v4 =	vld.idx.msk [tilespmem:v1+s25+$0xFFFFFFC0 ss:$0x1], $0xffff;
	[tilespmem:v0+s24+$0x10 ss:$0x1] =	vst.idx.msk $0xffff, v3  }
0x45: {  	v2 =	vld.idx.msk [tilespmem:v1+s25+$0xFFFFFFD0 ss:$0x1], $0xffff;
	[tilespmem:v0+s24+$0x20 ss:$0x1] =	vst.idx.msk $0xffff, v7;
	s24 =	smov.u32 s25  }
0x46: {  	v3 =	vld.idx.msk [tilespmem:v1+s24+$0xFFFFFFE0 ss:$0x1], $0xffff;
	[tilespmem:v0+s24+$0x30 ss:$0x1] =	vst.idx.msk $0xffff, v8  }
0x47: {  	s25 =	sshra.s32 s26, $0x2;
	s26 =	sadd.s32 $0x200, s26;
	[tilespmem:v0+s24+$0xFFFFFFC0 ss:$0x1] =	vst.idx.msk $0xffff, v9;
	v7 =	vld.idx.msk [tilespmem:v1+s24+$0xFFFFFFF0 ss:$0x1], $0xffff  }
0x48: {  	_ =	sdelay $0x3  }
0x49: {  	[tilespmem:v0+s24+$0xFFFFFFD0 ss:$0x1] =	vst.idx.msk $0xffff, v6  }
0x4a: {  	v56 =	vld.idx.msk [tilespmem:v1+s25+$0x0 ss:$0x1], $0xffff;
	[tilespmem:v0+s24+$0xFFFFFFE0 ss:$0x1] =	vst.idx.msk $0xffff, v5  }
0x4b: {  	v57 =	vld.idx.msk [tilespmem:v1+s25+$0xFFFFFF90 ss:$0x1], $0xffff;
	[tilespmem:v0+s24+$0xFFFFFFF0 ss:$0x1] =	vst.idx.msk $0xffff, v4  }
0x4c: {  	v58 =	vld.idx.msk [tilespmem:v1+s25+$0xFFFFFFA0 ss:$0x1], $0xffff;
	[tilespmem:v0+s24+$0x0 ss:$0x1] =	vst.idx.msk $0xffff, v2  }
0x4d: {  	v59 =	vld.idx.msk [tilespmem:v1+s25+$0xFFFFFFB0 ss:$0x1], $0xffff;
	[tilespmem:v0+s24+$0x10 ss:$0x1] =	vst.idx.msk $0xffff, v3  }
0x4e: {  	v60 =	vld.idx.msk [tilespmem:v1+s25+$0xFFFFFFC0 ss:$0x1], $0xffff;
	[tilespmem:v0+s24+$0x20 ss:$0x1] =	vst.idx.msk $0xffff, v7  }
0x4f: {  	v61 =	vld.idx.msk [tilespmem:v1+s25+$0xFFFFFFD0 ss:$0x1], $0xffff;
	[tilespmem:v0+s25+$0x30 ss:$0x1] =	vst.idx.msk $0xffff, v56  }
0x50: {  	v62 =	vld.idx.msk [tilespmem:v1+s25+$0xFFFFFFE0 ss:$0x1], $0xffff;
	[tilespmem:v0+s25+$0xFFFFFFC0 ss:$0x1] =	vst.idx.msk $0xffff, v57  }
0x51: {  	v63 =	vld.idx.msk [tilespmem:v1+s25+$0xFFFFFFF0 ss:$0x1], $0xffff;
	[tilespmem:v0+s25+$0xFFFFFFD0 ss:$0x1] =	vst.idx.msk $0xffff, v58  }
.Ltmp4:
0x52: {  	[tilespmem:v0+s25+$0xFFFFFFE0 ss:$0x1] =	vst.idx.msk $0xffff, v59;
	(pc) =	sbr.rel @p1 .LBB1_3-.Ltmp4, $4  }
0x53: {  	[tilespmem:v0+s25+$0xFFFFFFF0 ss:$0x1] =	vst.idx.msk $0xffff, v60  }
0x54: {  	[tilespmem:v0+s25+$0x0 ss:$0x1] =	vst.idx.msk $0xffff, v61  }
0x55: {  	[tilespmem:v0+s25+$0x10 ss:$0x1] =	vst.idx.msk $0xffff, v62  }
0x56: {  	p2 =	por $0x0, $0x0;
	s24 =	simm.s32 $0x2000;
	[tilespmem:v0+s25+$0x20 ss:$0x1] =	vst.idx.msk $0xffff, v63  }
0x57: {  	s20 =	sshll.u32 s20, $0x7;
	s22 =	sand.u32 $0x78, s16  }
0x58: {  	s23 =	sshll.u32 s16, $0x1;
	s19 =	sshll.u32 s19, $0x11;
	s18 =	sshll.u32 s18, $0xD  }
0x59: {  	s17 =	sshll.u32 s17, $0x7;
	s28 =	sshrl.u32 s16, $0x2;
	s30 =	sand.u32 $0x7, s16  }
0x5a: {  	s20 =	sand.u32 $0x80, s20;
	s23 =	sand.u32 $0x100, s23;
	s19 =	sadd.s32 s2, s19  }
.Ltmp5:
0x5b: {  	s20 =	sor.u32 s20, s22;
	s18 =	sadd.s32 s18, s19;
	(pc) =	sbr.rel .LBB1_7-.Ltmp5, $4  }
0x5c: {  	s29 =	sand.u32 $0x40, s28;
	s20 =	sor.u32 s23, s20;
	s17 =	sadd.s32 s17, s18  }
0x5d: {  	s16 =	sshll.u32 s30, $0x12;
	s31 =	sshrl.u32 s20, $0x3;
	s17 =	sadd.s32 s29, s17  }
0x5e: {  	s16 =	sor.u32 $0x80, s16;
	s17 =	sadd.s32 s31, s17  }
0x5f: {  	[hbm4b:s17+s16] =	stream.strided.scatter [tilespmem:s21], [sflag:$0x2], $0x4000, s9, s16, $0x38;
	[tilespmem:$0x10000] =	vst v63  }
.LBB1_8:
0x60: {  	_ =	sfence.sel $0x180000  }
0x61: {  	s2 =	simm.s32 $0x1;
	[bflag:$0x0] =	sbarrier.arrive $0xFFFF  }
0x62: {  	s31 =	simm.s32 $0x2;
	[sflag:s2] =	ssyncpa.u1 $0x1  }
0x63: {  	[sflag:s31] =	ssyncpa.u1 $0x1  }
0x64: {  	p0 =	sne.s32 s0, $0x0;
	_ =	strace $0x90000047  }
0x65: {  	s0 =	sadd.s32 @!p0 $0x100000, s1;
	[bflag:$0x2] =	sbarrier.arrive $0xFFFF  }
0x66: {  	[sflag:s0] =	ssyncadd.tile.s32 @!p0 $0x1;
	_ =	shalt  }
.Lfunc_end1:
_tile_overlayer_lowered:
.L_overlay_start_2:
0x67: {  	(tag) =	ssettag $0x2  }
0x68: {  	s0 =	rddreg [dreg:$0x0];
	s2 =	stileid.u32  }
0x69: {  	s1 =	rddreg [dreg:$0x1];
	p0 =	sne.s32 s2, $0x0  }
0x6a: {  	s3 =	rddreg [dreg:$0x2];
	[bflag:$0x3] =	sbarrier.arrive $0xFFFF;
	s2 =	simm.s32 @!p0 $0x1C01  }
0x6b: {  	[timem:s3], [sflag:s2] =	dma.local @!p0 [hbm:s0], s1  }
0x6c: {  	s0 =	simm.s32 @!p0 $0x1  }
0x6d: {  	_ =	swait.ge @!p0 [sflag:s0], s1  }
0x6e: {  	s1 =	ssub.s32 @!p0 $0x0, s1;
	[sflag:s0] =	ssyncset.done @!p0 $0x0  }
0x6f: {  	[sflag:s0] =	ssyncadd.s32 @!p0 s1  }
0x70: {  	[bflag:$0x3] =	sbarrier.arrive $0xFFFF  }
0x71: {  	_ =	shalt  }

</sc_bundles>
